<compile_context>
chip_gen: v7x
topology: tpu7x:2x2x1
jax: 0.10.2.dev20260603
libtpu: 0.0.44.dev20260713+nightly
codegen_flags: <defaults>
</compile_context>

<pallas_src>
import jax
import jax.numpy as jnp
from jax import lax
from jax.experimental import pallas as pl
from jax.experimental.pallas import tpu as pltpu
from jax.experimental.pallas import tpu_sc as plsc

Ne = 320000
Nn = 10000
NDIM = 128
NC = 2
NS = 16
NW = NC * NS
CHB = 10240
CHT = Ne - (NW - 1) * CHB
LANES = 16
UNROLL = 8
NP = 10240
CCH = 2560


def _pre_body(v_ref, we_ref, wes_ref, bes_ref, us_ref, ab_ref, sc_ref):
    dn = (((1,), (1,)), ((), ()))
    wrs = jnp.concatenate([we_ref[:, 1:1 + NDIM],
                           we_ref[:, 1 + NDIM:1 + 2 * NDIM]], axis=0)
    ab_ref[...] = lax.dot_general(wrs, v_ref[...], dn,
                                  preferred_element_type=jnp.float32)
    w0 = wes_ref[0, 0]
    c = wes_ref[0, 1 + 2 * NDIM] * us_ref[0] + bes_ref[0]
    sc_ref[0:1, :] = jnp.full((1, LANES), w0, jnp.float32)
    sc_ref[1:2, :] = jnp.full((1, LANES), c, jnp.float32)


def _sc_edge_body(r_hbm, s_hbm, e_hbm, ab_hbm, sc_hbm,
                  ep_hbm, eagg_hbm, deg_hbm,
                  r_v, s_v, e_v, a_v, b_v, ep_v, eagg_v, deg_v, sc_v, sem):
    cid = lax.axis_index("c")
    sid = lax.axis_index("s")
    wid = sid * NC + cid
    base = wid * CHB

    h4 = pltpu.async_copy(ab_hbm.at[0], a_v, sem)
    h5 = pltpu.async_copy(ab_hbm.at[1], b_v, sem)
    h6 = pltpu.async_copy(sc_hbm, sc_v, sem)

    zeros = jnp.zeros((LANES,), jnp.float32)

    def stage(lo, n):
        return (
            pltpu.async_copy(r_hbm.at[pl.ds(base + lo, n)], r_v.at[pl.ds(lo, n)], sem),
            pltpu.async_copy(s_hbm.at[pl.ds(base + lo, n)], s_v.at[pl.ds(lo, n)], sem),
            pltpu.async_copy(e_hbm.at[0, pl.ds(base + lo, n)], e_v.at[pl.ds(lo, n)], sem),
        )

    def run(nedge):
        nch = nedge // CCH
        hs = stage(0, CCH)

        @plsc.parallel_loop(0, NP, LANES, unroll=4)
        def _zero(off):
            eagg_v[pl.ds(off, LANES)] = zeros
            deg_v[pl.ds(off, LANES)] = zeros

        for h in hs + (h4, h5, h6):
            h.wait()

        w0v = sc_v[0]
        cv = sc_v[1]
        ones = jnp.full((LANES,), 1.0, jnp.float32)

        for g in range(nch):
            hn = stage((g + 1) * CCH, CCH) if g + 1 < nch else ()

            @plsc.parallel_loop(g * CCH, (g + 1) * CCH, LANES, unroll=UNROLL)
            def _edge(off):
                ir = r_v[pl.ds(off, LANES)]
                isv = s_v[pl.ds(off, LANES)]
                ev = e_v[pl.ds(off, LANES)]
                av = plsc.load_gather(a_v, [ir])
                bv = plsc.load_gather(b_v, [isv])
                ep = jnp.maximum(ev * w0v + av + bv + cv, 0.0)
                ep_v[pl.ds(off, LANES)] = ep
                plsc.addupdate_scatter(eagg_v, [ir], ep)
                plsc.addupdate_scatter(deg_v, [ir], ones)

            for h in hn:
                h.wait()

        pltpu.sync_copy(ep_v.at[pl.ds(0, nedge)], ep_hbm.at[0, pl.ds(base, nedge)])
        pltpu.sync_copy(eagg_v, eagg_hbm.at[wid])
        pltpu.sync_copy(deg_v, deg_hbm.at[wid])

    @pl.when(wid < NW - 1)
    def _():
        run(CHB)

    @pl.when(wid == NW - 1)
    def _():
        run(CHT)


_D0 = (((0,), (0,)), ((), ()))


def _row_of(col):
    return lax.dot_general(col, jnp.eye(NDIM, dtype=jnp.float32), _D0,
                           preferred_element_type=jnp.float32)


def _mm_body(v_ref, wn_ref, bn_ref, us_ref, p_ref):
    dn = (((1,), (1,)), ((), ()))
    ncst = us_ref[0] * _row_of(wn_ref[:, 1 + NDIM:2 + NDIM]) + bn_ref[...][None, :]
    p_ref[...] = lax.dot_general(v_ref[...], wn_ref[:, 1:1 + NDIM], dn,
                                 preferred_element_type=jnp.float32) + ncst


def _post_body(p_ref, eaggp_ref, degp_ref, wn_ref, wg_ref, wgs_ref, bgs_ref,
               us_ref, vp_ref, up_ref):
    ones_b = jnp.ones((1, NDIM), jnp.float32)
    eagg_s = jnp.sum(eaggp_ref[:, :Nn], axis=0, keepdims=True)
    deg_s = jnp.sum(degp_ref[:, :Nn], axis=0, keepdims=True)
    eagg_b = lax.dot_general(eagg_s, ones_b, _D0,
                             preferred_element_type=jnp.float32)
    deg_b = lax.dot_general(deg_s, ones_b, _D0,
                            preferred_element_type=jnp.float32)
    v_new = jnp.maximum(p_ref[...] + eagg_b * _row_of(wn_ref[:, 0:1]), 0.0)
    v_p = jnp.where(deg_b > 0.0, v_new, 0.0)
    vp_ref[...] = v_p
    v_bar = jnp.sum(v_p, axis=0) / Nn
    e_bar = jnp.sum(eaggp_ref[...]) / Ne
    g_dot = jnp.sum(wg_ref[0, 1:1 + NDIM] * v_bar)
    wg0 = wgs_ref[0, 0]
    gk = wgs_ref[0, 1 + NDIM] * us_ref[0] + bgs_ref[0]
    up_ref[...] = jnp.maximum(wg0 * e_bar + g_dot + gk, 0.0).reshape(1, 1)


def kernel(E, V, u, r, s, We, be, Wn, bn, Wg, bg):
    u0 = u[0]
    ab, scvec = pl.pallas_call(
        _pre_body,
        out_shape=[
            jax.ShapeDtypeStruct((2, Nn), jnp.float32),
            jax.ShapeDtypeStruct((2, LANES), jnp.float32),
        ],
        in_specs=[
            pl.BlockSpec(memory_space=pltpu.VMEM),
            pl.BlockSpec(memory_space=pltpu.VMEM),
            pl.BlockSpec(memory_space=pltpu.SMEM),
            pl.BlockSpec(memory_space=pltpu.SMEM),
            pl.BlockSpec(memory_space=pltpu.SMEM),
        ],
    )(V, We, We, be, u)

    mesh = plsc.VectorSubcoreMesh(core_axis_name="c", subcore_axis_name="s")
    edge_fn = pl.kernel(
        _sc_edge_body,
        mesh=mesh,
        compiler_params=pltpu.CompilerParams(needs_layout_passes=False),
        out_type=[
            jax.ShapeDtypeStruct((1, Ne), jnp.float32),
            jax.ShapeDtypeStruct((NW, NP), jnp.float32),
            jax.ShapeDtypeStruct((NW, NP), jnp.float32),
        ],
        scratch_types=[
            pltpu.VMEM((CHB,), jnp.int32),
            pltpu.VMEM((CHB,), jnp.int32),
            pltpu.VMEM((CHB,), jnp.float32),
            pltpu.VMEM((Nn,), jnp.float32),
            pltpu.VMEM((Nn,), jnp.float32),
            pltpu.VMEM((CHB,), jnp.float32),
            pltpu.VMEM((NP,), jnp.float32),
            pltpu.VMEM((NP,), jnp.float32),
            pltpu.VMEM((2, LANES), jnp.float32),
            pltpu.SemaphoreType.DMA,
        ],
    )
    ep, eagg_p, deg_p = edge_fn(r, s, E.reshape(1, Ne), ab, scvec)

    p = pl.pallas_call(
        _mm_body,
        out_shape=jax.ShapeDtypeStruct((Nn, NDIM), jnp.float32),
        in_specs=[
            pl.BlockSpec(memory_space=pltpu.VMEM),
            pl.BlockSpec(memory_space=pltpu.VMEM),
            pl.BlockSpec(memory_space=pltpu.VMEM),
            pl.BlockSpec(memory_space=pltpu.SMEM),
        ],
    )(V, Wn, bn, u)

    v_prime, up = pl.pallas_call(
        _post_body,
        out_shape=[
            jax.ShapeDtypeStruct((Nn, NDIM), jnp.float32),
            jax.ShapeDtypeStruct((1, 1), jnp.float32),
        ],
        in_specs=[
            pl.BlockSpec(memory_space=pltpu.VMEM),
            pl.BlockSpec(memory_space=pltpu.VMEM),
            pl.BlockSpec(memory_space=pltpu.VMEM),
            pl.BlockSpec(memory_space=pltpu.VMEM),
            pl.BlockSpec(memory_space=pltpu.VMEM),
            pl.BlockSpec(memory_space=pltpu.SMEM),
            pl.BlockSpec(memory_space=pltpu.SMEM),
            pl.BlockSpec(memory_space=pltpu.SMEM),
        ],
    )(p, eagg_p, deg_p, Wn, Wg, Wg, bg, u)

    return ep.reshape(Ne, 1), v_prime, up.reshape(1)

# --- scband reference (transcript-rebuilt; emitter-appended) ---
"""Pipeline reference for scband-graph-net-49821620633832 (READ-ONLY COPY).

The authoritative reference and input builder live on the scoring server;
editing this copy changes nothing except your own understanding.
"""

import jax, jax.numpy as jnp
import numpy as np

Ne, Nn, n_dim, e_dim = 320000, 10000, 128, 1

def setup_inputs(seed: int = 0) -> dict:
    key = jax.random.key(seed)
    ks = jax.random.split(key, 12)
    E = jax.random.normal(ks[0], (Ne, e_dim), dtype=jnp.float32)
    V = jax.random.normal(ks[1], (Nn, n_dim), dtype=jnp.float32)
    u = jax.random.normal(ks[2], (1,), dtype=jnp.float32)
    r = jax.random.randint(ks[3], (Ne,), 0, Nn, dtype=jnp.int32)
    s = jax.random.randint(ks[4], (Ne,), 0, Nn, dtype=jnp.int32)
    sc = 0.05
    We = jax.random.normal(ks[5], (e_dim, e_dim + 2 * n_dim + 1), dtype=jnp.float32) * sc
    be = jnp.zeros((e_dim,), dtype=jnp.float32)
    Wn = jax.random.normal(ks[6], (n_dim, n_dim + 2), dtype=jnp.float32) * sc
    bn = jnp.zeros((n_dim,), dtype=jnp.float32)
    Wg = jax.random.normal(ks[7], (1, n_dim + e_dim + 1), dtype=jnp.float32) * sc
    bg = jnp.zeros((1,), dtype=jnp.float32)
    return {"E": E, "V": V, "u": u, "r": r, "s": s,
            "We": We, "be": be, "Wn": Wn, "bn": bn, "Wg": Wg, "bg": bg}

def reference(E, V, u, r, s, We, be, Wn, bn, Wg, bg):
    # Edge block: e'_k = EdgeModel(e_k, v_{r_k}, v_{s_k}, u) vectorized over all Ne edges
    u_edge = jnp.broadcast_to(u.reshape(1, -1), (E.shape[0], u.shape[0]))
    edge_in = jnp.concatenate([E, V[r], V[s], u_edge], axis=1)
    E_prime = jax.nn.relu(edge_in @ We.T + be)
    # Edge->node aggregation (sum over incoming edges, grouped by receiver r)
    e_agg = jax.ops.segment_sum(E_prime, r, num_segments=Nn)
    deg = jax.ops.segment_sum(jnp.ones((E.shape[0],), dtype=jnp.float32), r, num_segments=Nn)
    has_in = (deg > 0)
    # Node block: only nodes with incoming edges get updated; others left as zeros
    u_node = jnp.broadcast_to(u.reshape(1, -1), (V.shape[0], u.shape[0]))
    node_in = jnp.concatenate([e_agg, V, u_node], axis=1)
    V_new = jax.nn.relu(node_in @ Wn.T + bn)
    V_prime = jnp.where(has_in[:, None], V_new, jnp.zeros_like(V_new))
    # Global block
    e_bar = jnp.mean(E_prime, axis=0)
    v_bar = jnp.mean(V_prime, axis=0)
    g_in = jnp.concatenate([e_bar, v_bar, u], axis=0)
    u_prime = jax.nn.relu(g_in @ Wg.T + bg)
    return (E_prime, V_prime, u_prime)

if __name__ == "__main__":
    import jax
    _d = setup_inputs()
    print(jax.jit(kernel)(*tuple(_d.values())))

</pallas_src>

<mosaic_0001>
#map = affine_map<(d0, d1) -> (0)>
#map1 = affine_map<(d0, d1) -> (0, 0)>
module attributes {stable_mosaic.version = 14 : i64} {
  func.func @_sc_edge_body(%arg0: i32, %arg1: i32, %arg2: memref<320000xi32, #tpu.memory_space<hbm>>, %arg3: memref<320000xi32, #tpu.memory_space<hbm>>, %arg4: memref<1x320000xf32, #tpu.memory_space<hbm>>, %arg5: memref<2x10000xf32, #tpu.memory_space<hbm>>, %arg6: memref<2x16xf32, #tpu.memory_space<hbm>>, %arg7: memref<1x320000xf32, #tpu.memory_space<hbm>>, %arg8: memref<32x10240xf32, #tpu.memory_space<hbm>>, %arg9: memref<32x10240xf32, #tpu.memory_space<hbm>>, %arg10: memref<10240xi32, #tpu.memory_space<vmem>>, %arg11: memref<10240xi32, #tpu.memory_space<vmem>>, %arg12: memref<10240xf32, #tpu.memory_space<vmem>>, %arg13: memref<10000xf32, #tpu.memory_space<vmem>>, %arg14: memref<10000xf32, #tpu.memory_space<vmem>>, %arg15: memref<10240xf32, #tpu.memory_space<vmem>>, %arg16: memref<10240xf32, #tpu.memory_space<vmem>>, %arg17: memref<10240xf32, #tpu.memory_space<vmem>>, %arg18: memref<2x16xf32, #tpu.memory_space<vmem>>, %arg19: memref<!tpu.dma_semaphore, #tpu.memory_space<semaphore_mem>>) attributes {dimension_semantics = [#tpu.dimension_semantics<core_parallel>, #tpu.dimension_semantics<subcore_parallel>], iteration_bounds = array<i64: 2, 16>, scalar_prefetch = 0 : i64, scratch_operands = 10 : i64, tpu.core_type = #tpu.core_type<sc_vector_subcore>, window_params = [{transform_indices = #map}, {transform_indices = #map}, {transform_indices = #map1}, {transform_indices = #map1}, {transform_indices = #map1}, {transform_indices = #map1}, {transform_indices = #map1}, {transform_indices = #map1}]} {
    %mul3A = arith.constant 2 : i32
    %mul3A_0 = arith.muli %arg1, %mul3A : i32
    %add3A = arith.addi %mul3A_0, %arg0 : i32
    %mul3A_1 = arith.constant 10240 : i32
    %mul3A_2 = arith.muli %add3A, %mul3A_1 : i32
    %dma_start3A = arith.constant 0 : i32
    %dma_start3A_3 = arith.constant 0 : i32
    %dma_start3A_4 = tpu.memref_slice %arg5[%dma_start3A, %dma_start3A_3] : memref<2x10000xf32, #tpu.memory_space<hbm>> -> memref<1x10000xf32, #tpu.memory_space<hbm>>
    %dma_start3A_5 = tpu.memref_squeeze %dma_start3A_4 : memref<1x10000xf32, #tpu.memory_space<hbm>> -> memref<10000xf32, #tpu.memory_space<hbm>>
    %dma_start3A_6 = arith.constant 0 : i32
    %dma_start3A_7 = tpu.memref_slice %arg5[%dma_start3A, %dma_start3A_6] : memref<2x10000xf32, #tpu.memory_space<hbm>> -> memref<1x10000xf32, #tpu.memory_space<hbm>>
    %dma_start3A_8 = tpu.memref_squeeze %dma_start3A_7 : memref<1x10000xf32, #tpu.memory_space<hbm>> -> memref<10000xf32, #tpu.memory_space<hbm>>
    tpu.enqueue_dma source(%dma_start3A_8 : memref<10000xf32, #tpu.memory_space<hbm>>) target(%arg13 : memref<10000xf32, #tpu.memory_space<vmem>>) target_semaphore(%arg19 : memref<!tpu.dma_semaphore, #tpu.memory_space<semaphore_mem>>)
    %dma_start3A_9 = arith.constant 1 : i32
    %dma_start3A_10 = arith.constant 0 : i32
    %dma_start3A_11 = tpu.memref_slice %arg5[%dma_start3A_9, %dma_start3A_10] : memref<2x10000xf32, #tpu.memory_space<hbm>> -> memref<1x10000xf32, #tpu.memory_space<hbm>>
    %dma_start3A_12 = tpu.memref_squeeze %dma_start3A_11 : memref<1x10000xf32, #tpu.memory_space<hbm>> -> memref<10000xf32, #tpu.memory_space<hbm>>
    %dma_start3A_13 = arith.constant 0 : i32
    %dma_start3A_14 = tpu.memref_slice %arg5[%dma_start3A_9, %dma_start3A_13] : memref<2x10000xf32, #tpu.memory_space<hbm>> -> memref<1x10000xf32, #tpu.memory_space<hbm>>
    %dma_start3A_15 = tpu.memref_squeeze %dma_start3A_14 : memref<1x10000xf32, #tpu.memory_space<hbm>> -> memref<10000xf32, #tpu.memory_space<hbm>>
    tpu.enqueue_dma source(%dma_start3A_15 : memref<10000xf32, #tpu.memory_space<hbm>>) target(%arg14 : memref<10000xf32, #tpu.memory_space<vmem>>) target_semaphore(%arg19 : memref<!tpu.dma_semaphore, #tpu.memory_space<semaphore_mem>>)
    tpu.enqueue_dma source(%arg6 : memref<2x16xf32, #tpu.memory_space<hbm>>) target(%arg18 : memref<2x16xf32, #tpu.memory_space<vmem>>) target_semaphore(%arg19 : memref<!tpu.dma_semaphore, #tpu.memory_space<semaphore_mem>>)
    %broadcast_in_dim3A = arith.constant 0.000000e+00 : f32
    %broadcast_in_dim3A_16 = vector.broadcast %broadcast_in_dim3A : f32 to vector<16xf32>
    %lt3A = arith.constant 31 : i32
    %lt3A_17 = arith.cmpi slt, %add3A, %lt3A : i32
    %convert_element_type3A = arith.extui %lt3A_17 : i1 to i32
    %cond3A = arith.constant 0 : i32
    %cond3A_18 = arith.constant 1 : i32
    %cond3A_19 = arith.constant 0 : i32
    %cond3A_20 = arith.cmpi ne, %convert_element_type3A, %cond3A_19 : i32
    scf.if %cond3A_20 {
      %add3A_27 = arith.constant 0 : i32
      %add3A_28 = arith.addi %mul3A_2, %add3A_27 : i32
      %dma_start3A_29 = arith.constant 0 : i32
      %dma_start3A_30 = tpu.memref_slice %arg10[%dma_start3A_29] : memref<10240xi32, #tpu.memory_space<vmem>> -> memref<2560xi32, #tpu.memory_space<vmem>>
      %dma_start3A_31 = tpu.memref_slice %arg2[%add3A_28] : memref<320000xi32, #tpu.memory_space<hbm>> -> memref<2560xi32, #tpu.memory_space<hbm>>
      %dma_start3A_32 = arith.constant 0 : i32
      %dma_start3A_33 = tpu.memref_slice %arg10[%dma_start3A_32] : memref<10240xi32, #tpu.memory_space<vmem>> -> memref<2560xi32, #tpu.memory_space<vmem>>
      %dma_start3A_34 = tpu.memref_slice %arg2[%add3A_28] : memref<320000xi32, #tpu.memory_space<hbm>> -> memref<2560xi32, #tpu.memory_space<hbm>>
      tpu.enqueue_dma source(%dma_start3A_34 : memref<2560xi32, #tpu.memory_space<hbm>>) target(%dma_start3A_33 : memref<2560xi32, #tpu.memory_space<vmem>>) target_semaphore(%arg19 : memref<!tpu.dma_semaphore, #tpu.memory_space<semaphore_mem>>)
      %add3A_35 = arith.constant 0 : i32
      %add3A_36 = arith.addi %mul3A_2, %add3A_35 : i32
      %dma_start3A_37 = arith.constant 0 : i32
      %dma_start3A_38 = tpu.memref_slice %arg11[%dma_start3A_37] : memref<10240xi32, #tpu.memory_space<vmem>> -> memref<2560xi32, #tpu.memory_space<vmem>>
      %dma_start3A_39 = tpu.memref_slice %arg3[%add3A_36] : memref<320000xi32, #tpu.memory_space<hbm>> -> memref<2560xi32, #tpu.memory_space<hbm>>
      %dma_start3A_40 = arith.constant 0 : i32
      %dma_start3A_41 = tpu.memref_slice %arg11[%dma_start3A_40] : memref<10240xi32, #tpu.memory_space<vmem>> -> memref<2560xi32, #tpu.memory_space<vmem>>
      %dma_start3A_42 = tpu.memref_slice %arg3[%add3A_36] : memref<320000xi32, #tpu.memory_space<hbm>> -> memref<2560xi32, #tpu.memory_space<hbm>>
      tpu.enqueue_dma source(%dma_start3A_42 : memref<2560xi32, #tpu.memory_space<hbm>>) target(%dma_start3A_41 : memref<2560xi32, #tpu.memory_space<vmem>>) target_semaphore(%arg19 : memref<!tpu.dma_semaphore, #tpu.memory_space<semaphore_mem>>)
      %add3A_43 = arith.constant 0 : i32
      %add3A_44 = arith.addi %mul3A_2, %add3A_43 : i32
      %dma_start3A_45 = arith.constant 0 : i32
      %dma_start3A_46 = arith.constant 0 : i32
      %dma_start3A_47 = tpu.memref_slice %arg12[%dma_start3A_46] : memref<10240xf32, #tpu.memory_space<vmem>> -> memref<2560xf32, #tpu.memory_space<vmem>>
      %dma_start3A_48 = tpu.memref_slice %arg4[%dma_start3A_45, %add3A_44] : memref<1x320000xf32, #tpu.memory_space<hbm>> -> memref<1x2560xf32, #tpu.memory_space<hbm>>
      %dma_start3A_49 = tpu.memref_squeeze %dma_start3A_48 : memref<1x2560xf32, #tpu.memory_space<hbm>> -> memref<2560xf32, #tpu.memory_space<hbm>>
      %dma_start3A_50 = arith.constant 0 : i32
      %dma_start3A_51 = tpu.memref_slice %arg12[%dma_start3A_50] : memref<10240xf32, #tpu.memory_space<vmem>> -> memref<2560xf32, #tpu.memory_space<vmem>>
      %dma_start3A_52 = tpu.memref_slice %arg4[%dma_start3A_45, %add3A_44] : memref<1x320000xf32, #tpu.memory_space<hbm>> -> memref<1x2560xf32, #tpu.memory_space<hbm>>
      %dma_start3A_53 = tpu.memref_squeeze %dma_start3A_52 : memref<1x2560xf32, #tpu.memory_space<hbm>> -> memref<2560xf32, #tpu.memory_space<hbm>>
      tpu.enqueue_dma source(%dma_start3A_53 : memref<2560xf32, #tpu.memory_space<hbm>>) target(%dma_start3A_51 : memref<2560xf32, #tpu.memory_space<vmem>>) target_semaphore(%arg19 : memref<!tpu.dma_semaphore, #tpu.memory_space<semaphore_mem>>)
      %parallel_loop3A = arith.constant 0 : i32
      %parallel_loop3A_54 = arith.constant 10240 : i32
      %parallel_loop3A_55 = arith.constant 16 : i32
      scf.for %parallel_loop3A_253 = %parallel_loop3A to %parallel_loop3A_54 step %parallel_loop3A_55  : i32 {
        %parallel_loop3A_254 = arith.index_cast %parallel_loop3A_253 : i32 to index
        %parallel_loop3A_255 = tpu.vector_load %arg16[%parallel_loop3A_254] {strides = array<i32>} : memref<10240xf32, #tpu.memory_space<vmem>>, vector<16xf32>,
        tpu.vector_store %arg16[%parallel_loop3A_254], %broadcast_in_dim3A_16 {strides = array<i32>} : memref<10240xf32, #tpu.memory_space<vmem>>, vector<16xf32>,
        %parallel_loop3A_256 = arith.index_cast %parallel_loop3A_253 : i32 to index
        %parallel_loop3A_257 = tpu.vector_load %arg17[%parallel_loop3A_256] {strides = array<i32>} : memref<10240xf32, #tpu.memory_space<vmem>>, vector<16xf32>,
        tpu.vector_store %arg17[%parallel_loop3A_256], %broadcast_in_dim3A_16 {strides = array<i32>} : memref<10240xf32, #tpu.memory_space<vmem>>, vector<16xf32>,
      } {sc.loop_unroll_factor = 4 : i64, sc.parallel_access}
      %dma_wait3A = arith.constant 0 : i32
      %dma_wait3A_56 = tpu.memref_slice %arg10[%dma_wait3A] : memref<10240xi32, #tpu.memory_space<vmem>> -> memref<2560xi32, #tpu.memory_space<vmem>>
      %dma_wait3A_57 = tpu.memref_slice %arg2[%add3A_28] : memref<320000xi32, #tpu.memory_space<hbm>> -> memref<2560xi32, #tpu.memory_space<hbm>>
      %dma_wait3A_58 = arith.constant 0 : i32
      %dma_wait3A_59 = tpu.memref_slice %arg10[%dma_wait3A_58] : memref<10240xi32, #tpu.memory_space<vmem>> -> memref<2560xi32, #tpu.memory_space<vmem>>
      %dma_wait3A_60 = tpu.memref_slice %arg2[%add3A_28] : memref<320000xi32, #tpu.memory_space<hbm>> -> memref<2560xi32, #tpu.memory_space<hbm>>
      tpu.wait_dma2 semaphore(%arg19 : memref<!tpu.dma_semaphore, #tpu.memory_space<semaphore_mem>>) src(%dma_wait3A_60 : memref<2560xi32, #tpu.memory_space<hbm>>) dst(%dma_wait3A_59 : memref<2560xi32, #tpu.memory_space<vmem>>)
      %dma_wait3A_61 = arith.constant 0 : i32
      %dma_wait3A_62 = tpu.memref_slice %arg11[%dma_wait3A_61] : memref<10240xi32, #tpu.memory_space<vmem>> -> memref<2560xi32, #tpu.memory_space<vmem>>
      %dma_wait3A_63 = tpu.memref_slice %arg3[%add3A_36] : memref<320000xi32, #tpu.memory_space<hbm>> -> memref<2560xi32, #tpu.memory_space<hbm>>
      %dma_wait3A_64 = arith.constant 0 : i32
      %dma_wait3A_65 = tpu.memref_slice %arg11[%dma_wait3A_64] : memref<10240xi32, #tpu.memory_space<vmem>> -> memref<2560xi32, #tpu.memory_space<vmem>>
      %dma_wait3A_66 = tpu.memref_slice %arg3[%add3A_36] : memref<320000xi32, #tpu.memory_space<hbm>> -> memref<2560xi32, #tpu.memory_space<hbm>>
      tpu.wait_dma2 semaphore(%arg19 : memref<!tpu.dma_semaphore, #tpu.memory_space<semaphore_mem>>) src(%dma_wait3A_66 : memref<2560xi32, #tpu.memory_space<hbm>>) dst(%dma_wait3A_65 : memref<2560xi32, #tpu.memory_space<vmem>>)
      %dma_wait3A_67 = arith.constant 0 : i32
      %dma_wait3A_68 = arith.constant 0 : i32
      %dma_wait3A_69 = tpu.memref_slice %arg12[%dma_wait3A_68] : memref<10240xf32, #tpu.memory_space<vmem>> -> memref<2560xf32, #tpu.memory_space<vmem>>
      %dma_wait3A_70 = tpu.memref_slice %arg4[%dma_wait3A_67, %add3A_44] : memref<1x320000xf32, #tpu.memory_space<hbm>> -> memref<1x2560xf32, #tpu.memory_space<hbm>>
      %dma_wait3A_71 = tpu.memref_squeeze %dma_wait3A_70 : memref<1x2560xf32, #tpu.memory_space<hbm>> -> memref<2560xf32, #tpu.memory_space<hbm>>
      %dma_wait3A_72 = arith.constant 0 : i32
      %dma_wait3A_73 = tpu.memref_slice %arg12[%dma_wait3A_72] : memref<10240xf32, #tpu.memory_space<vmem>> -> memref<2560xf32, #tpu.memory_space<vmem>>
      %dma_wait3A_74 = tpu.memref_slice %arg4[%dma_wait3A_67, %add3A_44] : memref<1x320000xf32, #tpu.memory_space<hbm>> -> memref<1x2560xf32, #tpu.memory_space<hbm>>
      %dma_wait3A_75 = tpu.memref_squeeze %dma_wait3A_74 : memref<1x2560xf32, #tpu.memory_space<hbm>> -> memref<2560xf32, #tpu.memory_space<hbm>>
      tpu.wait_dma2 semaphore(%arg19 : memref<!tpu.dma_semaphore, #tpu.memory_space<semaphore_mem>>) src(%dma_wait3A_75 : memref<2560xf32, #tpu.memory_space<hbm>>) dst(%dma_wait3A_73 : memref<2560xf32, #tpu.memory_space<vmem>>)
      %dma_wait3A_76 = arith.constant 0 : i32
      %dma_wait3A_77 = tpu.memref_slice %arg5[%cond3A, %dma_wait3A_76] : memref<2x10000xf32, #tpu.memory_space<hbm>> -> memref<1x10000xf32, #tpu.memory_space<hbm>>
      %dma_wait3A_78 = tpu.memref_squeeze %dma_wait3A_77 : memref<1x10000xf32, #tpu.memory_space<hbm>> -> memref<10000xf32, #tpu.memory_space<hbm>>
      %dma_wait3A_79 = arith.constant 0 : i32
      %dma_wait3A_80 = tpu.memref_slice %arg5[%cond3A, %dma_wait3A_79] : memref<2x10000xf32, #tpu.memory_space<hbm>> -> memref<1x10000xf32, #tpu.memory_space<hbm>>
      %dma_wait3A_81 = tpu.memref_squeeze %dma_wait3A_80 : memref<1x10000xf32, #tpu.memory_space<hbm>> -> memref<10000xf32, #tpu.memory_space<hbm>>
      tpu.wait_dma2 semaphore(%arg19 : memref<!tpu.dma_semaphore, #tpu.memory_space<semaphore_mem>>) src(%dma_wait3A_81 : memref<10000xf32, #tpu.memory_space<hbm>>) dst(%arg13 : memref<10000xf32, #tpu.memory_space<vmem>>)
      %dma_wait3A_82 = arith.constant 0 : i32
      %dma_wait3A_83 = tpu.memref_slice %arg5[%cond3A_18, %dma_wait3A_82] : memref<2x10000xf32, #tpu.memory_space<hbm>> -> memref<1x10000xf32, #tpu.memory_space<hbm>>
      %dma_wait3A_84 = tpu.memref_squeeze %dma_wait3A_83 : memref<1x10000xf32, #tpu.memory_space<hbm>> -> memref<10000xf32, #tpu.memory_space<hbm>>
      %dma_wait3A_85 = arith.constant 0 : i32
      %dma_wait3A_86 = tpu.memref_slice %arg5[%cond3A_18, %dma_wait3A_85] : memref<2x10000xf32, #tpu.memory_space<hbm>> -> memref<1x10000xf32, #tpu.memory_space<hbm>>
      %dma_wait3A_87 = tpu.memref_squeeze %dma_wait3A_86 : memref<1x10000xf32, #tpu.memory_space<hbm>> -> memref<10000xf32, #tpu.memory_space<hbm>>
      tpu.wait_dma2 semaphore(%arg19 : memref<!tpu.dma_semaphore, #tpu.memory_space<semaphore_mem>>) src(%dma_wait3A_87 : memref<10000xf32, #tpu.memory_space<hbm>>) dst(%arg14 : memref<10000xf32, #tpu.memory_space<vmem>>)
      tpu.wait_dma2 semaphore(%arg19 : memref<!tpu.dma_semaphore, #tpu.memory_space<semaphore_mem>>) src(%arg6 : memref<2x16xf32, #tpu.memory_space<hbm>>) dst(%arg18 : memref<2x16xf32, #tpu.memory_space<vmem>>)
      %get3A = arith.constant 0 : i32
      %get3A_88 = arith.index_cast %get3A : i32 to index
      %get3A_89 = arith.constant 0 : index
      %get3A_90 = tpu.vector_load %arg18[%get3A_88, %get3A_89] {strides = array<i32>} : memref<2x16xf32, #tpu.memory_space<vmem>>, vector<16xf32>,
      %get3A_91 = arith.constant 1 : i32
      %get3A_92 = arith.index_cast %get3A_91 : i32 to index
      %get3A_93 = arith.constant 0 : index
      %get3A_94 = tpu.vector_load %arg18[%get3A_92, %get3A_93] {strides = array<i32>} : memref<2x16xf32, #tpu.memory_space<vmem>>, vector<16xf32>,
      %broadcast_in_dim3A_95 = arith.constant 1.000000e+00 : f32
      %broadcast_in_dim3A_96 = vector.broadcast %broadcast_in_dim3A_95 : f32 to vector<16xf32>
      %add3A_97 = arith.constant 2560 : i32
      %add3A_98 = arith.addi %mul3A_2, %add3A_97 : i32
      %dma_start3A_99 = arith.constant 2560 : i32
      %dma_start3A_100 = tpu.memref_slice %arg10[%dma_start3A_99] : memref<10240xi32, #tpu.memory_space<vmem>> -> memref<2560xi32, #tpu.memory_space<vmem>>
      %dma_start3A_101 = tpu.memref_slice %arg2[%add3A_98] : memref<320000xi32, #tpu.memory_space<hbm>> -> memref<2560xi32, #tpu.memory_space<hbm>>
      %dma_start3A_102 = arith.constant 2560 : i32
      %dma_start3A_103 = tpu.memref_slice %arg10[%dma_start3A_102] : memref<10240xi32, #tpu.memory_space<vmem>> -> memref<2560xi32, #tpu.memory_space<vmem>>
      %dma_start3A_104 = tpu.memref_slice %arg2[%add3A_98] : memref<320000xi32, #tpu.memory_space<hbm>> -> memref<2560xi32, #tpu.memory_space<hbm>>
      tpu.enqueue_dma source(%dma_start3A_104 : memref<2560xi32, #tpu.memory_space<hbm>>) target(%dma_start3A_103 : memref<2560xi32, #tpu.memory_space<vmem>>) target_semaphore(%arg19 : memref<!tpu.dma_semaphore, #tpu.memory_space<semaphore_mem>>)
      %add3A_105 = arith.constant 2560 : i32
      %add3A_106 = arith.addi %mul3A_2, %add3A_105 : i32
      %dma_start3A_107 = arith.constant 2560 : i32
      %dma_start3A_108 = tpu.memref_slice %arg11[%dma_start3A_107] : memref<10240xi32, #tpu.memory_space<vmem>> -> memref<2560xi32, #tpu.memory_space<vmem>>
      %dma_start3A_109 = tpu.memref_slice %arg3[%add3A_106] : memref<320000xi32, #tpu.memory_space<hbm>> -> memref<2560xi32, #tpu.memory_space<hbm>>
      %dma_start3A_110 = arith.constant 2560 : i32
      %dma_start3A_111 = tpu.memref_slice %arg11[%dma_start3A_110] : memref<10240xi32, #tpu.memory_space<vmem>> -> memref<2560xi32, #tpu.memory_space<vmem>>
      %dma_start3A_112 = tpu.memref_slice %arg3[%add3A_106] : memref<320000xi32, #tpu.memory_space<hbm>> -> memref<2560xi32, #tpu.memory_space<hbm>>
      tpu.enqueue_dma source(%dma_start3A_112 : memref<2560xi32, #tpu.memory_space<hbm>>) target(%dma_start3A_111 : memref<2560xi32, #tpu.memory_space<vmem>>) target_semaphore(%arg19 : memref<!tpu.dma_semaphore, #tpu.memory_space<semaphore_mem>>)
      %add3A_113 = arith.constant 2560 : i32
      %add3A_114 = arith.addi %mul3A_2, %add3A_113 : i32
      %dma_start3A_115 = arith.constant 0 : i32
      %dma_start3A_116 = arith.constant 2560 : i32
      %dma_start3A_117 = tpu.memref_slice %arg12[%dma_start3A_116] : memref<10240xf32, #tpu.memory_space<vmem>> -> memref<2560xf32, #tpu.memory_space<vmem>>
      %dma_start3A_118 = tpu.memref_slice %arg4[%dma_start3A_115, %add3A_114] : memref<1x320000xf32, #tpu.memory_space<hbm>> -> memref<1x2560xf32, #tpu.memory_space<hbm>>
      %dma_start3A_119 = tpu.memref_squeeze %dma_start3A_118 : memref<1x2560xf32, #tpu.memory_space<hbm>> -> memref<2560xf32, #tpu.memory_space<hbm>>
      %dma_start3A_120 = arith.constant 2560 : i32
      %dma_start3A_121 = tpu.memref_slice %arg12[%dma_start3A_120] : memref<10240xf32, #tpu.memory_space<vmem>> -> memref<2560xf32, #tpu.memory_space<vmem>>
      %dma_start3A_122 = tpu.memref_slice %arg4[%dma_start3A_115, %add3A_114] : memref<1x320000xf32, #tpu.memory_space<hbm>> -> memref<1x2560xf32, #tpu.memory_space<hbm>>
      %dma_start3A_123 = tpu.memref_squeeze %dma_start3A_122 : memref<1x2560xf32, #tpu.memory_space<hbm>> -> memref<2560xf32, #tpu.memory_space<hbm>>
      tpu.enqueue_dma source(%dma_start3A_123 : memref<2560xf32, #tpu.memory_space<hbm>>) target(%dma_start3A_121 : memref<2560xf32, #tpu.memory_space<vmem>>) target_semaphore(%arg19 : memref<!tpu.dma_semaphore, #tpu.memory_space<semaphore_mem>>)
      %parallel_loop3A_124 = arith.constant 0 : i32
      %parallel_loop3A_125 = arith.constant 2560 : i32
      %parallel_loop3A_126 = arith.constant 16 : i32
      scf.for %parallel_loop3A_253 = %parallel_loop3A_124 to %parallel_loop3A_125 step %parallel_loop3A_126  : i32 {
        %parallel_loop3A_254 = arith.index_cast %parallel_loop3A_253 : i32 to index
        %parallel_loop3A_255 = tpu.vector_load %arg10[%parallel_loop3A_254] {strides = array<i32>} : memref<10240xi32, #tpu.memory_space<vmem>>, vector<16xi32>,
        %parallel_loop3A_256 = arith.index_cast %parallel_loop3A_253 : i32 to index
        %parallel_loop3A_257 = tpu.vector_load %arg11[%parallel_loop3A_256] {strides = array<i32>} : memref<10240xi32, #tpu.memory_space<vmem>>, vector<16xi32>,
        %parallel_loop3A_258 = arith.index_cast %parallel_loop3A_253 : i32 to index
        %parallel_loop3A_259 = tpu.vector_load %arg12[%parallel_loop3A_258] {strides = array<i32>} : memref<10240xf32, #tpu.memory_space<vmem>>, vector<16xf32>,
        %parallel_loop3A_260 = tpu.vector_load_idx %arg13[%parallel_loop3A_255] : memref<10000xf32, #tpu.memory_space<vmem>>[vector<16xi32>], vector<16xf32>,
        %parallel_loop3A_261 = tpu.vector_load_idx %arg14[%parallel_loop3A_257] : memref<10000xf32, #tpu.memory_space<vmem>>[vector<16xi32>], vector<16xf32>,
        %parallel_loop3A_262 = arith.mulf %parallel_loop3A_259, %get3A_90 : vector<16xf32>
        %parallel_loop3A_263 = arith.addf %parallel_loop3A_262, %parallel_loop3A_260 : vector<16xf32>
        %parallel_loop3A_264 = arith.addf %parallel_loop3A_263, %parallel_loop3A_261 : vector<16xf32>
        %parallel_loop3A_265 = arith.addf %parallel_loop3A_264, %get3A_94 : vector<16xf32>
        %parallel_loop3A_266 = arith.constant 0.000000e+00 : f32
        %parallel_loop3A_267 = vector.broadcast %parallel_loop3A_266 : f32 to vector<16xf32>
        %parallel_loop3A_268 = arith.maximumf %parallel_loop3A_265, %parallel_loop3A_267 : vector<16xf32>
        %parallel_loop3A_269 = arith.index_cast %parallel_loop3A_253 : i32 to index
        %parallel_loop3A_270 = tpu.vector_load %arg15[%parallel_loop3A_269] {strides = array<i32>} : memref<10240xf32, #tpu.memory_space<vmem>>, vector<16xf32>,
        tpu.vector_store %arg15[%parallel_loop3A_269], %parallel_loop3A_268 {strides = array<i32>} : memref<10240xf32, #tpu.memory_space<vmem>>, vector<16xf32>,
        tpu.vector_store_idx %arg16[%parallel_loop3A_255], %parallel_loop3A_268 {add = true} : memref<10240xf32, #tpu.memory_space<vmem>>[vector<16xi32>], vector<16xf32>,
        tpu.vector_store_idx %arg17[%parallel_loop3A_255], %broadcast_in_dim3A_96 {add = true} : memref<10240xf32, #tpu.memory_space<vmem>>[vector<16xi32>], vector<16xf32>,
      } {sc.loop_unroll_factor = 8 : i64, sc.parallel_access}
      %dma_wait3A_127 = arith.constant 2560 : i32
      %dma_wait3A_128 = tpu.memref_slice %arg10[%dma_wait3A_127] : memref<10240xi32, #tpu.memory_space<vmem>> -> memref<2560xi32, #tpu.memory_space<vmem>>
      %dma_wait3A_129 = tpu.memref_slice %arg2[%add3A_98] : memref<320000xi32, #tpu.memory_space<hbm>> -> memref<2560xi32, #tpu.memory_space<hbm>>
      %dma_wait3A_130 = arith.constant 2560 : i32
      %dma_wait3A_131 = tpu.memref_slice %arg10[%dma_wait3A_130] : memref<10240xi32, #tpu.memory_space<vmem>> -> memref<2560xi32, #tpu.memory_space<vmem>>
      %dma_wait3A_132 = tpu.memref_slice %arg2[%add3A_98] : memref<320000xi32, #tpu.memory_space<hbm>> -> memref<2560xi32, #tpu.memory_space<hbm>>
      tpu.wait_dma2 semaphore(%arg19 : memref<!tpu.dma_semaphore, #tpu.memory_space<semaphore_mem>>) src(%dma_wait3A_132 : memref<2560xi32, #tpu.memory_space<hbm>>) dst(%dma_wait3A_131 : memref<2560xi32, #tpu.memory_space<vmem>>)
      %dma_wait3A_133 = arith.constant 2560 : i32
      %dma_wait3A_134 = tpu.memref_slice %arg11[%dma_wait3A_133] : memref<10240xi32, #tpu.memory_space<vmem>> -> memref<2560xi32, #tpu.memory_space<vmem>>
      %dma_wait3A_135 = tpu.memref_slice %arg3[%add3A_106] : memref<320000xi32, #tpu.memory_space<hbm>> -> memref<2560xi32, #tpu.memory_space<hbm>>
      %dma_wait3A_136 = arith.constant 2560 : i32
      %dma_wait3A_137 = tpu.memref_slice %arg11[%dma_wait3A_136] : memref<10240xi32, #tpu.memory_space<vmem>> -> memref<2560xi32, #tpu.memory_space<vmem>>
      %dma_wait3A_138 = tpu.memref_slice %arg3[%add3A_106] : memref<320000xi32, #tpu.memory_space<hbm>> -> memref<2560xi32, #tpu.memory_space<hbm>>
      tpu.wait_dma2 semaphore(%arg19 : memref<!tpu.dma_semaphore, #tpu.memory_space<semaphore_mem>>) src(%dma_wait3A_138 : memref<2560xi32, #tpu.memory_space<hbm>>) dst(%dma_wait3A_137 : memref<2560xi32, #tpu.memory_space<vmem>>)
      %dma_wait3A_139 = arith.constant 0 : i32
      %dma_wait3A_140 = arith.constant 2560 : i32
      %dma_wait3A_141 = tpu.memref_slice %arg12[%dma_wait3A_140] : memref<10240xf32, #tpu.memory_space<vmem>> -> memref<2560xf32, #tpu.memory_space<vmem>>
      %dma_wait3A_142 = tpu.memref_slice %arg4[%dma_wait3A_139, %add3A_114] : memref<1x320000xf32, #tpu.memory_space<hbm>> -> memref<1x2560xf32, #tpu.memory_space<hbm>>
      %dma_wait3A_143 = tpu.memref_squeeze %dma_wait3A_142 : memref<1x2560xf32, #tpu.memory_space<hbm>> -> memref<2560xf32, #tpu.memory_space<hbm>>
      %dma_wait3A_144 = arith.constant 2560 : i32
      %dma_wait3A_145 = tpu.memref_slice %arg12[%dma_wait3A_144] : memref<10240xf32, #tpu.memory_space<vmem>> -> memref<2560xf32, #tpu.memory_space<vmem>>
      %dma_wait3A_146 = tpu.memref_slice %arg4[%dma_wait3A_139, %add3A_114] : memref<1x320000xf32, #tpu.memory_space<hbm>> -> memref<1x2560xf32, #tpu.memory_space<hbm>>
      %dma_wait3A_147 = tpu.memref_squeeze %dma_wait3A_146 : memref<1x2560xf32, #tpu.memory_space<hbm>> -> memref<2560xf32, #tpu.memory_space<hbm>>
      tpu.wait_dma2 semaphore(%arg19 : memref<!tpu.dma_semaphore, #tpu.memory_space<semaphore_mem>>) src(%dma_wait3A_147 : memref<2560xf32, #tpu.memory_space<hbm>>) dst(%dma_wait3A_145 : memref<2560xf32, #tpu.memory_space<vmem>>)
      %add3A_148 = arith.constant 5120 : i32
      %add3A_149 = arith.addi %mul3A_2, %add3A_148 : i32
      %dma_start3A_150 = arith.constant 5120 : i32
      %dma_start3A_151 = tpu.memref_slice %arg10[%dma_start3A_150] : memref<10240xi32, #tpu.memory_space<vmem>> -> memref<2560xi32, #tpu.memory_space<vmem>>
      %dma_start3A_152 = tpu.memref_slice %arg2[%add3A_149] : memref<320000xi32, #tpu.memory_space<hbm>> -> memref<2560xi32, #tpu.memory_space<hbm>>
      %dma_start3A_153 = arith.constant 5120 : i32
      %dma_start3A_154 = tpu.memref_slice %arg10[%dma_start3A_153] : memref<10240xi32, #tpu.memory_space<vmem>> -> memref<2560xi32, #tpu.memory_space<vmem>>
      %dma_start3A_155 = tpu.memref_slice %arg2[%add3A_149] : memref<320000xi32, #tpu.memory_space<hbm>> -> memref<2560xi32, #tpu.memory_space<hbm>>
      tpu.enqueue_dma source(%dma_start3A_155 : memref<2560xi32, #tpu.memory_space<hbm>>) target(%dma_start3A_154 : memref<2560xi32, #tpu.memory_space<vmem>>) target_semaphore(%arg19 : memref<!tpu.dma_semaphore, #tpu.memory_space<semaphore_mem>>)
      %add3A_156 = arith.constant 5120 : i32
      %add3A_157 = arith.addi %mul3A_2, %add3A_156 : i32
      %dma_start3A_158 = arith.constant 5120 : i32
      %dma_start3A_159 = tpu.memref_slice %arg11[%dma_start3A_158] : memref<10240xi32, #tpu.memory_space<vmem>> -> memref<2560xi32, #tpu.memory_space<vmem>>
      %dma_start3A_160 = tpu.memref_slice %arg3[%add3A_157] : memref<320000xi32, #tpu.memory_space<hbm>> -> memref<2560xi32, #tpu.memory_space<hbm>>
      %dma_start3A_161 = arith.constant 5120 : i32
      %dma_start3A_162 = tpu.memref_slice %arg11[%dma_start3A_161] : memref<10240xi32, #tpu.memory_space<vmem>> -> memref<2560xi32, #tpu.memory_space<vmem>>
      %dma_start3A_163 = tpu.memref_slice %arg3[%add3A_157] : memref<320000xi32, #tpu.memory_space<hbm>> -> memref<2560xi32, #tpu.memory_space<hbm>>
      tpu.enqueue_dma source(%dma_start3A_163 : memref<2560xi32, #tpu.memory_space<hbm>>) target(%dma_start3A_162 : memref<2560xi32, #tpu.memory_space<vmem>>) target_semaphore(%arg19 : memref<!tpu.dma_semaphore, #tpu.memory_space<semaphore_mem>>)
      %add3A_164 = arith.constant 5120 : i32
      %add3A_165 = arith.addi %mul3A_2, %add3A_164 : i32
      %dma_start3A_166 = arith.constant 0 : i32
      %dma_start3A_167 = arith.constant 5120 : i32
      %dma_start3A_168 = tpu.memref_slice %arg12[%dma_start3A_167] : memref<10240xf32, #tpu.memory_space<vmem>> -> memref<2560xf32, #tpu.memory_space<vmem>>
      %dma_start3A_169 = tpu.memref_slice %arg4[%dma_start3A_166, %add3A_165] : memref<1x320000xf32, #tpu.memory_space<hbm>> -> memref<1x2560xf32, #tpu.memory_space<hbm>>
      %dma_start3A_170 = tpu.memref_squeeze %dma_start3A_169 : memref<1x2560xf32, #tpu.memory_space<hbm>> -> memref<2560xf32, #tpu.memory_space<hbm>>
      %dma_start3A_171 = arith.constant 5120 : i32
      %dma_start3A_172 = tpu.memref_slice %arg12[%dma_start3A_171] : memref<10240xf32, #tpu.memory_space<vmem>> -> memref<2560xf32, #tpu.memory_space<vmem>>
      %dma_start3A_173 = tpu.memref_slice %arg4[%dma_start3A_166, %add3A_165] : memref<1x320000xf32, #tpu.memory_space<hbm>> -> memref<1x2560xf32, #tpu.memory_space<hbm>>
      %dma_start3A_174 = tpu.memref_squeeze %dma_start3A_173 : memref<1x2560xf32, #tpu.memory_space<hbm>> -> memref<2560xf32, #tpu.memory_space<hbm>>
      tpu.enqueue_dma source(%dma_start3A_174 : memref<2560xf32, #tpu.memory_space<hbm>>) target(%dma_start3A_172 : memref<2560xf32, #tpu.memory_space<vmem>>) target_semaphore(%arg19 : memref<!tpu.dma_semaphore, #tpu.memory_space<semaphore_mem>>)
      %parallel_loop3A_175 = arith.constant 2560 : i32
      %parallel_loop3A_176 = arith.constant 5120 : i32
      %parallel_loop3A_177 = arith.constant 16 : i32
      scf.for %parallel_loop3A_253 = %parallel_loop3A_175 to %parallel_loop3A_176 step %parallel_loop3A_177  : i32 {
        %parallel_loop3A_254 = arith.index_cast %parallel_loop3A_253 : i32 to index
        %parallel_loop3A_255 = tpu.vector_load %arg10[%parallel_loop3A_254] {strides = array<i32>} : memref<10240xi32, #tpu.memory_space<vmem>>, vector<16xi32>,
        %parallel_loop3A_256 = arith.index_cast %parallel_loop3A_253 : i32 to index
        %parallel_loop3A_257 = tpu.vector_load %arg11[%parallel_loop3A_256] {strides = array<i32>} : memref<10240xi32, #tpu.memory_space<vmem>>, vector<16xi32>,
        %parallel_loop3A_258 = arith.index_cast %parallel_loop3A_253 : i32 to index
        %parallel_loop3A_259 = tpu.vector_load %arg12[%parallel_loop3A_258] {strides = array<i32>} : memref<10240xf32, #tpu.memory_space<vmem>>, vector<16xf32>,
        %parallel_loop3A_260 = tpu.vector_load_idx %arg13[%parallel_loop3A_255] : memref<10000xf32, #tpu.memory_space<vmem>>[vector<16xi32>], vector<16xf32>,
        %parallel_loop3A_261 = tpu.vector_load_idx %arg14[%parallel_loop3A_257] : memref<10000xf32, #tpu.memory_space<vmem>>[vector<16xi32>], vector<16xf32>,
        %parallel_loop3A_262 = arith.mulf %parallel_loop3A_259, %get3A_90 : vector<16xf32>
        %parallel_loop3A_263 = arith.addf %parallel_loop3A_262, %parallel_loop3A_260 : vector<16xf32>
        %parallel_loop3A_264 = arith.addf %parallel_loop3A_263, %parallel_loop3A_261 : vector<16xf32>
        %parallel_loop3A_265 = arith.addf %parallel_loop3A_264, %get3A_94 : vector<16xf32>
        %parallel_loop3A_266 = arith.constant 0.000000e+00 : f32
        %parallel_loop3A_267 = vector.broadcast %parallel_loop3A_266 : f32 to vector<16xf32>
        %parallel_loop3A_268 = arith.maximumf %parallel_loop3A_265, %parallel_loop3A_267 : vector<16xf32>
        %parallel_loop3A_269 = arith.index_cast %parallel_loop3A_253 : i32 to index
        %parallel_loop3A_270 = tpu.vector_load %arg15[%parallel_loop3A_269] {strides = array<i32>} : memref<10240xf32, #tpu.memory_space<vmem>>, vector<16xf32>,
        tpu.vector_store %arg15[%parallel_loop3A_269], %parallel_loop3A_268 {strides = array<i32>} : memref<10240xf32, #tpu.memory_space<vmem>>, vector<16xf32>,
        tpu.vector_store_idx %arg16[%parallel_loop3A_255], %parallel_loop3A_268 {add = true} : memref<10240xf32, #tpu.memory_space<vmem>>[vector<16xi32>], vector<16xf32>,
        tpu.vector_store_idx %arg17[%parallel_loop3A_255], %broadcast_in_dim3A_96 {add = true} : memref<10240xf32, #tpu.memory_space<vmem>>[vector<16xi32>], vector<16xf32>,
      } {sc.loop_unroll_factor = 8 : i64, sc.parallel_access}
      %dma_wait3A_178 = arith.constant 5120 : i32
      %dma_wait3A_179 = tpu.memref_slice %arg10[%dma_wait3A_178] : memref<10240xi32, #tpu.memory_space<vmem>> -> memref<2560xi32, #tpu.memory_space<vmem>>
      %dma_wait3A_180 = tpu.memref_slice %arg2[%add3A_149] : memref<320000xi32, #tpu.memory_space<hbm>> -> memref<2560xi32, #tpu.memory_space<hbm>>
      %dma_wait3A_181 = arith.constant 5120 : i32
      %dma_wait3A_182 = tpu.memref_slice %arg10[%dma_wait3A_181] : memref<10240xi32, #tpu.memory_space<vmem>> -> memref<2560xi32, #tpu.memory_space<vmem>>
      %dma_wait3A_183 = tpu.memref_slice %arg2[%add3A_149] : memref<320000xi32, #tpu.memory_space<hbm>> -> memref<2560xi32, #tpu.memory_space<hbm>>
      tpu.wait_dma2 semaphore(%arg19 : memref<!tpu.dma_semaphore, #tpu.memory_space<semaphore_mem>>) src(%dma_wait3A_183 : memref<2560xi32, #tpu.memory_space<hbm>>) dst(%dma_wait3A_182 : memref<2560xi32, #tpu.memory_space<vmem>>)
      %dma_wait3A_184 = arith.constant 5120 : i32
      %dma_wait3A_185 = tpu.memref_slice %arg11[%dma_wait3A_184] : memref<10240xi32, #tpu.memory_space<vmem>> -> memref<2560xi32, #tpu.memory_space<vmem>>
      %dma_wait3A_186 = tpu.memref_slice %arg3[%add3A_157] : memref<320000xi32, #tpu.memory_space<hbm>> -> memref<2560xi32, #tpu.memory_space<hbm>>
      %dma_wait3A_187 = arith.constant 5120 : i32
      %dma_wait3A_188 = tpu.memref_slice %arg11[%dma_wait3A_187] : memref<10240xi32, #tpu.memory_space<vmem>> -> memref<2560xi32, #tpu.memory_space<vmem>>
      %dma_wait3A_189 = tpu.memref_slice %arg3[%add3A_157] : memref<320000xi32, #tpu.memory_space<hbm>> -> memref<2560xi32, #tpu.memory_space<hbm>>
      tpu.wait_dma2 semaphore(%arg19 : memref<!tpu.dma_semaphore, #tpu.memory_space<semaphore_mem>>) src(%dma_wait3A_189 : memref<2560xi32, #tpu.memory_space<hbm>>) dst(%dma_wait3A_188 : memref<2560xi32, #tpu.memory_space<vmem>>)
      %dma_wait3A_190 = arith.constant 0 : i32
      %dma_wait3A_191 = arith.constant 5120 : i32
      %dma_wait3A_192 = tpu.memref_slice %arg12[%dma_wait3A_191] : memref<10240xf32, #tpu.memory_space<vmem>> -> memref<2560xf32, #tpu.memory_space<vmem>>
      %dma_wait3A_193 = tpu.memref_slice %arg4[%dma_wait3A_190, %add3A_165] : memref<1x320000xf32, #tpu.memory_space<hbm>> -> memref<1x2560xf32, #tpu.memory_space<hbm>>
      %dma_wait3A_194 = tpu.memref_squeeze %dma_wait3A_193 : memref<1x2560xf32, #tpu.memory_space<hbm>> -> memref<2560xf32, #tpu.memory_space<hbm>>
      %dma_wait3A_195 = arith.constant 5120 : i32
      %dma_wait3A_196 = tpu.memref_slice %arg12[%dma_wait3A_195] : memref<10240xf32, #tpu.memory_space<vmem>> -> memref<2560xf32, #tpu.memory_space<vmem>>
      %dma_wait3A_197 = tpu.memref_slice %arg4[%dma_wait3A_190, %add3A_165] : memref<1x320000xf32, #tpu.memory_space<hbm>> -> memref<1x2560xf32, #tpu.memory_space<hbm>>
      %dma_wait3A_198 = tpu.memref_squeeze %dma_wait3A_197 : memref<1x2560xf32, #tpu.memory_space<hbm>> -> memref<2560xf32, #tpu.memory_space<hbm>>
      tpu.wait_dma2 semaphore(%arg19 : memref<!tpu.dma_semaphore, #tpu.memory_space<semaphore_mem>>) src(%dma_wait3A_198 : memref<2560xf32, #tpu.memory_space<hbm>>) dst(%dma_wait3A_196 : memref<2560xf32, #tpu.memory_space<vmem>>)
      %add3A_199 = arith.constant 7680 : i32
      %add3A_200 = arith.addi %mul3A_2, %add3A_199 : i32
      %dma_start3A_201 = arith.constant 7680 : i32
      %dma_start3A_202 = tpu.memref_slice %arg10[%dma_start3A_201] : memref<10240xi32, #tpu.memory_space<vmem>> -> memref<2560xi32, #tpu.memory_space<vmem>>
      %dma_start3A_203 = tpu.memref_slice %arg2[%add3A_200] : memref<320000xi32, #tpu.memory_space<hbm>> -> memref<2560xi32, #tpu.memory_space<hbm>>
      %dma_start3A_204 = arith.constant 7680 : i32
      %dma_start3A_205 = tpu.memref_slice %arg10[%dma_start3A_204] : memref<10240xi32, #tpu.memory_space<vmem>> -> memref<2560xi32, #tpu.memory_space<vmem>>
      %dma_start3A_206 = tpu.memref_slice %arg2[%add3A_200] : memref<320000xi32, #tpu.memory_space<hbm>> -> memref<2560xi32, #tpu.memory_space<hbm>>
      tpu.enqueue_dma source(%dma_start3A_206 : memref<2560xi32, #tpu.memory_space<hbm>>) target(%dma_start3A_205 : memref<2560xi32, #tpu.memory_space<vmem>>) target_semaphore(%arg19 : memref<!tpu.dma_semaphore, #tpu.memory_space<semaphore_mem>>)
      %add3A_207 = arith.constant 7680 : i32
      %add3A_208 = arith.addi %mul3A_2, %add3A_207 : i32
      %dma_start3A_209 = arith.constant 7680 : i32
      %dma_start3A_210 = tpu.memref_slice %arg11[%dma_start3A_209] : memref<10240xi32, #tpu.memory_space<vmem>> -> memref<2560xi32, #tpu.memory_space<vmem>>
      %dma_start3A_211 = tpu.memref_slice %arg3[%add3A_208] : memref<320000xi32, #tpu.memory_space<hbm>> -> memref<2560xi32, #tpu.memory_space<hbm>>
      %dma_start3A_212 = arith.constant 7680 : i32
      %dma_start3A_213 = tpu.memref_slice %arg11[%dma_start3A_212] : memref<10240xi32, #tpu.memory_space<vmem>> -> memref<2560xi32, #tpu.memory_space<vmem>>
      %dma_start3A_214 = tpu.memref_slice %arg3[%add3A_208] : memref<320000xi32, #tpu.memory_space<hbm>> -> memref<2560xi32, #tpu.memory_space<hbm>>
      tpu.enqueue_dma source(%dma_start3A_214 : memref<2560xi32, #tpu.memory_space<hbm>>) target(%dma_start3A_213 : memref<2560xi32, #tpu.memory_space<vmem>>) target_semaphore(%arg19 : memref<!tpu.dma_semaphore, #tpu.memory_space<semaphore_mem>>)
      %add3A_215 = arith.constant 7680 : i32
      %add3A_216 = arith.addi %mul3A_2, %add3A_215 : i32
      %dma_start3A_217 = arith.constant 0 : i32
      %dma_start3A_218 = arith.constant 7680 : i32
      %dma_start3A_219 = tpu.memref_slice %arg12[%dma_start3A_218] : memref<10240xf32, #tpu.memory_space<vmem>> -> memref<2560xf32, #tpu.memory_space<vmem>>
      %dma_start3A_220 = tpu.memref_slice %arg4[%dma_start3A_217, %add3A_216] : memref<1x320000xf32, #tpu.memory_space<hbm>> -> memref<1x2560xf32, #tpu.memory_space<hbm>>
      %dma_start3A_221 = tpu.memref_squeeze %dma_start3A_220 : memref<1x2560xf32, #tpu.memory_space<hbm>> -> memref<2560xf32, #tpu.memory_space<hbm>>
      %dma_start3A_222 = arith.constant 7680 : i32
      %dma_start3A_223 = tpu.memref_slice %arg12[%dma_start3A_222] : memref<10240xf32, #tpu.memory_space<vmem>> -> memref<2560xf32, #tpu.memory_space<vmem>>
      %dma_start3A_224 = tpu.memref_slice %arg4[%dma_start3A_217, %add3A_216] : memref<1x320000xf32, #tpu.memory_space<hbm>> -> memref<1x2560xf32, #tpu.memory_space<hbm>>
      %dma_start3A_225 = tpu.memref_squeeze %dma_start3A_224 : memref<1x2560xf32, #tpu.memory_space<hbm>> -> memref<2560xf32, #tpu.memory_space<hbm>>
      tpu.enqueue_dma source(%dma_start3A_225 : memref<2560xf32, #tpu.memory_space<hbm>>) target(%dma_start3A_223 : memref<2560xf32, #tpu.memory_space<vmem>>) target_semaphore(%arg19 : memref<!tpu.dma_semaphore, #tpu.memory_space<semaphore_mem>>)
      %parallel_loop3A_226 = arith.constant 5120 : i32
      %parallel_loop3A_227 = arith.constant 7680 : i32
      %parallel_loop3A_228 = arith.constant 16 : i32
      scf.for %parallel_loop3A_253 = %parallel_loop3A_226 to %parallel_loop3A_227 step %parallel_loop3A_228  : i32 {
        %parallel_loop3A_254 = arith.index_cast %parallel_loop3A_253 : i32 to index
        %parallel_loop3A_255 = tpu.vector_load %arg10[%parallel_loop3A_254] {strides = array<i32>} : memref<10240xi32, #tpu.memory_space<vmem>>, vector<16xi32>,
        %parallel_loop3A_256 = arith.index_cast %parallel_loop3A_253 : i32 to index
        %parallel_loop3A_257 = tpu.vector_load %arg11[%parallel_loop3A_256] {strides = array<i32>} : memref<10240xi32, #tpu.memory_space<vmem>>, vector<16xi32>,
        %parallel_loop3A_258 = arith.index_cast %parallel_loop3A_253 : i32 to index
        %parallel_loop3A_259 = tpu.vector_load %arg12[%parallel_loop3A_258] {strides = array<i32>} : memref<10240xf32, #tpu.memory_space<vmem>>, vector<16xf32>,
        %parallel_loop3A_260 = tpu.vector_load_idx %arg13[%parallel_loop3A_255] : memref<10000xf32, #tpu.memory_space<vmem>>[vector<16xi32>], vector<16xf32>,
        %parallel_loop3A_261 = tpu.vector_load_idx %arg14[%parallel_loop3A_257] : memref<10000xf32, #tpu.memory_space<vmem>>[vector<16xi32>], vector<16xf32>,
        %parallel_loop3A_262 = arith.mulf %parallel_loop3A_259, %get3A_90 : vector<16xf32>
        %parallel_loop3A_263 = arith.addf %parallel_loop3A_262, %parallel_loop3A_260 : vector<16xf32>
        %parallel_loop3A_264 = arith.addf %parallel_loop3A_263, %parallel_loop3A_261 : vector<16xf32>
        %parallel_loop3A_265 = arith.addf %parallel_loop3A_264, %get3A_94 : vector<16xf32>
        %parallel_loop3A_266 = arith.constant 0.000000e+00 : f32
        %parallel_loop3A_267 = vector.broadcast %parallel_loop3A_266 : f32 to vector<16xf32>
        %parallel_loop3A_268 = arith.maximumf %parallel_loop3A_265, %parallel_loop3A_267 : vector<16xf32>
        %parallel_loop3A_269 = arith.index_cast %parallel_loop3A_253 : i32 to index
        %parallel_loop3A_270 = tpu.vector_load %arg15[%parallel_loop3A_269] {strides = array<i32>} : memref<10240xf32, #tpu.memory_space<vmem>>, vector<16xf32>,
        tpu.vector_store %arg15[%parallel_loop3A_269], %parallel_loop3A_268 {strides = array<i32>} : memref<10240xf32, #tpu.memory_space<vmem>>, vector<16xf32>,
        tpu.vector_store_idx %arg16[%parallel_loop3A_255], %parallel_loop3A_268 {add = true} : memref<10240xf32, #tpu.memory_space<vmem>>[vector<16xi32>], vector<16xf32>,
        tpu.vector_store_idx %arg17[%parallel_loop3A_255], %broadcast_in_dim3A_96 {add = true} : memref<10240xf32, #tpu.memory_space<vmem>>[vector<16xi32>], vector<16xf32>,
      } {sc.loop_unroll_factor = 8 : i64, sc.parallel_access}
      %dma_wait3A_229 = arith.constant 7680 : i32
      %dma_wait3A_230 = tpu.memref_slice %arg10[%dma_wait3A_229] : memref<10240xi32, #tpu.memory_space<vmem>> -> memref<2560xi32, #tpu.memory_space<vmem>>
      %dma_wait3A_231 = tpu.memref_slice %arg2[%add3A_200] : memref<320000xi32, #tpu.memory_space<hbm>> -> memref<2560xi32, #tpu.memory_space<hbm>>
      %dma_wait3A_232 = arith.constant 7680 : i32
      %dma_wait3A_233 = tpu.memref_slice %arg10[%dma_wait3A_232] : memref<10240xi32, #tpu.memory_space<vmem>> -> memref<2560xi32, #tpu.memory_space<vmem>>
      %dma_wait3A_234 = tpu.memref_slice %arg2[%add3A_200] : memref<320000xi32, #tpu.memory_space<hbm>> -> memref<2560xi32, #tpu.memory_space<hbm>>
      tpu.wait_dma2 semaphore(%arg19 : memref<!tpu.dma_semaphore, #tpu.memory_space<semaphore_mem>>) src(%dma_wait3A_234 : memref<2560xi32, #tpu.memory_space<hbm>>) dst(%dma_wait3A_233 : memref<2560xi32, #tpu.memory_space<vmem>>)
      %dma_wait3A_235 = arith.constant 7680 : i32
      %dma_wait3A_236 = tpu.memref_slice %arg11[%dma_wait3A_235] : memref<10240xi32, #tpu.memory_space<vmem>> -> memref<2560xi32, #tpu.memory_space<vmem>>
      %dma_wait3A_237 = tpu.memref_slice %arg3[%add3A_208] : memref<320000xi32, #tpu.memory_space<hbm>> -> memref<2560xi32, #tpu.memory_space<hbm>>
      %dma_wait3A_238 = arith.constant 7680 : i32
      %dma_wait3A_239 = tpu.memref_slice %arg11[%dma_wait3A_238] : memref<10240xi32, #tpu.memory_space<vmem>> -> memref<2560xi32, #tpu.memory_space<vmem>>
      %dma_wait3A_240 = tpu.memref_slice %arg3[%add3A_208] : memref<320000xi32, #tpu.memory_space<hbm>> -> memref<2560xi32, #tpu.memory_space<hbm>>
      tpu.wait_dma2 semaphore(%arg19 : memref<!tpu.dma_semaphore, #tpu.memory_space<semaphore_mem>>) src(%dma_wait3A_240 : memref<2560xi32, #tpu.memory_space<hbm>>) dst(%dma_wait3A_239 : memref<2560xi32, #tpu.memory_space<vmem>>)
      %dma_wait3A_241 = arith.constant 0 : i32
      %dma_wait3A_242 = arith.constant 7680 : i32
      %dma_wait3A_243 = tpu.memref_slice %arg12[%dma_wait3A_242] : memref<10240xf32, #tpu.memory_space<vmem>> -> memref<2560xf32, #tpu.memory_space<vmem>>
      %dma_wait3A_244 = tpu.memref_slice %arg4[%dma_wait3A_241, %add3A_216] : memref<1x320000xf32, #tpu.memory_space<hbm>> -> memref<1x2560xf32, #tpu.memory_space<hbm>>
      %dma_wait3A_245 = tpu.memref_squeeze %dma_wait3A_244 : memref<1x2560xf32, #tpu.memory_space<hbm>> -> memref<2560xf32, #tpu.memory_space<hbm>>
      %dma_wait3A_246 = arith.constant 7680 : i32
      %dma_wait3A_247 = tpu.memref_slice %arg12[%dma_wait3A_246] : memref<10240xf32, #tpu.memory_space<vmem>> -> memref<2560xf32, #tpu.memory_space<vmem>>
      %dma_wait3A_248 = tpu.memref_slice %arg4[%dma_wait3A_241, %add3A_216] : memref<1x320000xf32, #tpu.memory_space<hbm>> -> memref<1x2560xf32, #tpu.memory_space<hbm>>
      %dma_wait3A_249 = tpu.memref_squeeze %dma_wait3A_248 : memref<1x2560xf32, #tpu.memory_space<hbm>> -> memref<2560xf32, #tpu.memory_space<hbm>>
      tpu.wait_dma2 semaphore(%arg19 : memref<!tpu.dma_semaphore, #tpu.memory_space<semaphore_mem>>) src(%dma_wait3A_249 : memref<2560xf32, #tpu.memory_space<hbm>>) dst(%dma_wait3A_247 : memref<2560xf32, #tpu.memory_space<vmem>>)
      %parallel_loop3A_250 = arith.constant 7680 : i32
      %parallel_loop3A_251 = arith.constant 10240 : i32
      %parallel_loop3A_252 = arith.constant 16 : i32
      scf.for %parallel_loop3A_253 = %parallel_loop3A_250 to %parallel_loop3A_251 step %parallel_loop3A_252  : i32 {
        %parallel_loop3A_254 = arith.index_cast %parallel_loop3A_253 : i32 to index
        %parallel_loop3A_255 = tpu.vector_load %arg10[%parallel_loop3A_254] {strides = array<i32>} : memref<10240xi32, #tpu.memory_space<vmem>>, vector<16xi32>,
        %parallel_loop3A_256 = arith.index_cast %parallel_loop3A_253 : i32 to index
        %parallel_loop3A_257 = tpu.vector_load %arg11[%parallel_loop3A_256] {strides = array<i32>} : memref<10240xi32, #tpu.memory_space<vmem>>, vector<16xi32>,
        %parallel_loop3A_258 = arith.index_cast %parallel_loop3A_253 : i32 to index
        %parallel_loop3A_259 = tpu.vector_load %arg12[%parallel_loop3A_258] {strides = array<i32>} : memref<10240xf32, #tpu.memory_space<vmem>>, vector<16xf32>,
        %parallel_loop3A_260 = tpu.vector_load_idx %arg13[%parallel_loop3A_255] : memref<10000xf32, #tpu.memory_space<vmem>>[vector<16xi32>], vector<16xf32>,
        %parallel_loop3A_261 = tpu.vector_load_idx %arg14[%parallel_loop3A_257] : memref<10000xf32, #tpu.memory_space<vmem>>[vector<16xi32>], vector<16xf32>,
        %parallel_loop3A_262 = arith.mulf %parallel_loop3A_259, %get3A_90 : vector<16xf32>
        %parallel_loop3A_263 = arith.addf %parallel_loop3A_262, %parallel_loop3A_260 : vector<16xf32>
        %parallel_loop3A_264 = arith.addf %parallel_loop3A_263, %parallel_loop3A_261 : vector<16xf32>
        %parallel_loop3A_265 = arith.addf %parallel_loop3A_264, %get3A_94 : vector<16xf32>
        %parallel_loop3A_266 = arith.constant 0.000000e+00 : f32
        %parallel_loop3A_267 = vector.broadcast %parallel_loop3A_266 : f32 to vector<16xf32>
        %parallel_loop3A_268 = arith.maximumf %parallel_loop3A_265, %parallel_loop3A_267 : vector<16xf32>
        %parallel_loop3A_269 = arith.index_cast %parallel_loop3A_253 : i32 to index
        %parallel_loop3A_270 = tpu.vector_load %arg15[%parallel_loop3A_269] {strides = array<i32>} : memref<10240xf32, #tpu.memory_space<vmem>>, vector<16xf32>,
        tpu.vector_store %arg15[%parallel_loop3A_269], %parallel_loop3A_268 {strides = array<i32>} : memref<10240xf32, #tpu.memory_space<vmem>>, vector<16xf32>,
        tpu.vector_store_idx %arg16[%parallel_loop3A_255], %parallel_loop3A_268 {add = true} : memref<10240xf32, #tpu.memory_space<vmem>>[vector<16xi32>], vector<16xf32>,
        tpu.vector_store_idx %arg17[%parallel_loop3A_255], %broadcast_in_dim3A_96 {add = true} : memref<10240xf32, #tpu.memory_space<vmem>>[vector<16xi32>], vector<16xf32>,
      } {sc.loop_unroll_factor = 8 : i64, sc.parallel_access}
      %run_scoped3A = arith.constant 0 : i32
      "tpu.region"() ({
        %run_scoped3A_253 = tpu.sem_alloc : memref<!tpu.dma_semaphore, #tpu.memory_space<semaphore_mem>>
        %dma_start3A_254 = arith.constant 0 : i32
        %dma_start3A_255 = tpu.memref_slice %arg15[%dma_start3A_254] : memref<10240xf32, #tpu.memory_space<vmem>> -> memref<10240xf32, #tpu.memory_space<vmem>>
        %dma_start3A_256 = tpu.memref_slice %arg7[%run_scoped3A, %mul3A_2] : memref<1x320000xf32, #tpu.memory_space<hbm>> -> memref<1x10240xf32, #tpu.memory_space<hbm>>
        %dma_start3A_257 = tpu.memref_squeeze %dma_start3A_256 : memref<1x10240xf32, #tpu.memory_space<hbm>> -> memref<10240xf32, #tpu.memory_space<hbm>>
        %dma_start3A_258 = tpu.memref_slice %arg7[%run_scoped3A, %mul3A_2] : memref<1x320000xf32, #tpu.memory_space<hbm>> -> memref<1x10240xf32, #tpu.memory_space<hbm>>
        %dma_start3A_259 = tpu.memref_squeeze %dma_start3A_258 : memref<1x10240xf32, #tpu.memory_space<hbm>> -> memref<10240xf32, #tpu.memory_space<hbm>>
        %dma_start3A_260 = arith.constant 0 : i32
        %dma_start3A_261 = tpu.memref_slice %arg15[%dma_start3A_260] : memref<10240xf32, #tpu.memory_space<vmem>> -> memref<10240xf32, #tpu.memory_space<vmem>>
        tpu.enqueue_dma source(%dma_start3A_261 : memref<10240xf32, #tpu.memory_space<vmem>>) target(%dma_start3A_259 : memref<10240xf32, #tpu.memory_space<hbm>>) target_semaphore(%run_scoped3A_253 : memref<!tpu.dma_semaphore, #tpu.memory_space<semaphore_mem>>)
        %dma_wait3A_262 = arith.constant 0 : i32
        %dma_wait3A_263 = tpu.memref_slice %arg15[%dma_wait3A_262] : memref<10240xf32, #tpu.memory_space<vmem>> -> memref<10240xf32, #tpu.memory_space<vmem>>
        %dma_wait3A_264 = tpu.memref_slice %arg7[%run_scoped3A, %mul3A_2] : memref<1x320000xf32, #tpu.memory_space<hbm>> -> memref<1x10240xf32, #tpu.memory_space<hbm>>
        %dma_wait3A_265 = tpu.memref_squeeze %dma_wait3A_264 : memref<1x10240xf32, #tpu.memory_space<hbm>> -> memref<10240xf32, #tpu.memory_space<hbm>>
        %dma_wait3A_266 = tpu.memref_slice %arg7[%run_scoped3A, %mul3A_2] : memref<1x320000xf32, #tpu.memory_space<hbm>> -> memref<1x10240xf32, #tpu.memory_space<hbm>>
        %dma_wait3A_267 = tpu.memref_squeeze %dma_wait3A_266 : memref<1x10240xf32, #tpu.memory_space<hbm>> -> memref<10240xf32, #tpu.memory_space<hbm>>
        %dma_wait3A_268 = arith.constant 0 : i32
        %dma_wait3A_269 = tpu.memref_slice %arg15[%dma_wait3A_268] : memref<10240xf32, #tpu.memory_space<vmem>> -> memref<10240xf32, #tpu.memory_space<vmem>>
        tpu.wait_dma2 semaphore(%run_scoped3A_253 : memref<!tpu.dma_semaphore, #tpu.memory_space<semaphore_mem>>) src(%dma_wait3A_269 : memref<10240xf32, #tpu.memory_space<vmem>>) dst(%dma_wait3A_267 : memref<10240xf32, #tpu.memory_space<hbm>>)
        tpu.yield
      }) : () -> ()
      "tpu.region"() ({
        %run_scoped3A_253 = tpu.sem_alloc : memref<!tpu.dma_semaphore, #tpu.memory_space<semaphore_mem>>
        %dma_start3A_254 = arith.constant 0 : i32
        %dma_start3A_255 = tpu.memref_slice %arg8[%add3A, %dma_start3A_254] : memref<32x10240xf32, #tpu.memory_space<hbm>> -> memref<1x10240xf32, #tpu.memory_space<hbm>>
        %dma_start3A_256 = tpu.memref_squeeze %dma_start3A_255 : memref<1x10240xf32, #tpu.memory_space<hbm>> -> memref<10240xf32, #tpu.memory_space<hbm>>
        %dma_start3A_257 = arith.constant 0 : i32
        %dma_start3A_258 = tpu.memref_slice %arg8[%add3A, %dma_start3A_257] : memref<32x10240xf32, #tpu.memory_space<hbm>> -> memref<1x10240xf32, #tpu.memory_space<hbm>>
        %dma_start3A_259 = tpu.memref_squeeze %dma_start3A_258 : memref<1x10240xf32, #tpu.memory_space<hbm>> -> memref<10240xf32, #tpu.memory_space<hbm>>
        tpu.enqueue_dma source(%arg16 : memref<10240xf32, #tpu.memory_space<vmem>>) target(%dma_start3A_259 : memref<10240xf32, #tpu.memory_space<hbm>>) target_semaphore(%run_scoped3A_253 : memref<!tpu.dma_semaphore, #tpu.memory_space<semaphore_mem>>)
        %dma_wait3A_260 = arith.constant 0 : i32
        %dma_wait3A_261 = tpu.memref_slice %arg8[%add3A, %dma_wait3A_260] : memref<32x10240xf32, #tpu.memory_space<hbm>> -> memref<1x10240xf32, #tpu.memory_space<hbm>>
        %dma_wait3A_262 = tpu.memref_squeeze %dma_wait3A_261 : memref<1x10240xf32, #tpu.memory_space<hbm>> -> memref<10240xf32, #tpu.memory_space<hbm>>
        %dma_wait3A_263 = arith.constant 0 : i32
        %dma_wait3A_264 = tpu.memref_slice %arg8[%add3A, %dma_wait3A_263] : memref<32x10240xf32, #tpu.memory_space<hbm>> -> memref<1x10240xf32, #tpu.memory_space<hbm>>
        %dma_wait3A_265 = tpu.memref_squeeze %dma_wait3A_264 : memref<1x10240xf32, #tpu.memory_space<hbm>> -> memref<10240xf32, #tpu.memory_space<hbm>>
        tpu.wait_dma2 semaphore(%run_scoped3A_253 : memref<!tpu.dma_semaphore, #tpu.memory_space<semaphore_mem>>) src(%arg16 : memref<10240xf32, #tpu.memory_space<vmem>>) dst(%dma_wait3A_265 : memref<10240xf32, #tpu.memory_space<hbm>>)
        tpu.yield
      }) : () -> ()
      "tpu.region"() ({
        %run_scoped3A_253 = tpu.sem_alloc : memref<!tpu.dma_semaphore, #tpu.memory_space<semaphore_mem>>
        %dma_start3A_254 = arith.constant 0 : i32
        %dma_start3A_255 = tpu.memref_slice %arg9[%add3A, %dma_start3A_254] : memref<32x10240xf32, #tpu.memory_space<hbm>> -> memref<1x10240xf32, #tpu.memory_space<hbm>>
        %dma_start3A_256 = tpu.memref_squeeze %dma_start3A_255 : memref<1x10240xf32, #tpu.memory_space<hbm>> -> memref<10240xf32, #tpu.memory_space<hbm>>
        %dma_start3A_257 = arith.constant 0 : i32
        %dma_start3A_258 = tpu.memref_slice %arg9[%add3A, %dma_start3A_257] : memref<32x10240xf32, #tpu.memory_space<hbm>> -> memref<1x10240xf32, #tpu.memory_space<hbm>>
        %dma_start3A_259 = tpu.memref_squeeze %dma_start3A_258 : memref<1x10240xf32, #tpu.memory_space<hbm>> -> memref<10240xf32, #tpu.memory_space<hbm>>
        tpu.enqueue_dma source(%arg17 : memref<10240xf32, #tpu.memory_space<vmem>>) target(%dma_start3A_259 : memref<10240xf32, #tpu.memory_space<hbm>>) target_semaphore(%run_scoped3A_253 : memref<!tpu.dma_semaphore, #tpu.memory_space<semaphore_mem>>)
        %dma_wait3A_260 = arith.constant 0 : i32
        %dma_wait3A_261 = tpu.memref_slice %arg9[%add3A, %dma_wait3A_260] : memref<32x10240xf32, #tpu.memory_space<hbm>> -> memref<1x10240xf32, #tpu.memory_space<hbm>>
        %dma_wait3A_262 = tpu.memref_squeeze %dma_wait3A_261 : memref<1x10240xf32, #tpu.memory_space<hbm>> -> memref<10240xf32, #tpu.memory_space<hbm>>
        %dma_wait3A_263 = arith.constant 0 : i32
        %dma_wait3A_264 = tpu.memref_slice %arg9[%add3A, %dma_wait3A_263] : memref<32x10240xf32, #tpu.memory_space<hbm>> -> memref<1x10240xf32, #tpu.memory_space<hbm>>
        %dma_wait3A_265 = tpu.memref_squeeze %dma_wait3A_264 : memref<1x10240xf32, #tpu.memory_space<hbm>> -> memref<10240xf32, #tpu.memory_space<hbm>>
        tpu.wait_dma2 semaphore(%run_scoped3A_253 : memref<!tpu.dma_semaphore, #tpu.memory_space<semaphore_mem>>) src(%arg17 : memref<10240xf32, #tpu.memory_space<vmem>>) dst(%dma_wait3A_265 : memref<10240xf32, #tpu.memory_space<hbm>>)
        tpu.yield
      }) : () -> ()
    } else {
    }
    %eq3A = arith.constant 31 : i32
    %eq3A_21 = arith.cmpi eq, %add3A, %eq3A : i32
    %convert_element_type3A_22 = arith.extui %eq3A_21 : i1 to i32
    %cond3A_23 = arith.constant 0 : i32
    %cond3A_24 = arith.constant 1 : i32
    %cond3A_25 = arith.constant 0 : i32
    %cond3A_26 = arith.cmpi ne, %convert_element_type3A_22, %cond3A_25 : i32
    scf.if %cond3A_26 {
      %add3A_27 = arith.constant 0 : i32
      %add3A_28 = arith.addi %mul3A_2, %add3A_27 : i32
      %dma_start3A_29 = arith.constant 0 : i32
      %dma_start3A_30 = tpu.memref_slice %arg10[%dma_start3A_29] : memref<10240xi32, #tpu.memory_space<vmem>> -> memref<2560xi32, #tpu.memory_space<vmem>>
      %dma_start3A_31 = tpu.memref_slice %arg2[%add3A_28] : memref<320000xi32, #tpu.memory_space<hbm>> -> memref<2560xi32, #tpu.memory_space<hbm>>
      %dma_start3A_32 = arith.constant 0 : i32
      %dma_start3A_33 = tpu.memref_slice %arg10[%dma_start3A_32] : memref<10240xi32, #tpu.memory_space<vmem>> -> memref<2560xi32, #tpu.memory_space<vmem>>
      %dma_start3A_34 = tpu.memref_slice %arg2[%add3A_28] : memref<320000xi32, #tpu.memory_space<hbm>> -> memref<2560xi32, #tpu.memory_space<hbm>>
      tpu.enqueue_dma source(%dma_start3A_34 : memref<2560xi32, #tpu.memory_space<hbm>>) target(%dma_start3A_33 : memref<2560xi32, #tpu.memory_space<vmem>>) target_semaphore(%arg19 : memref<!tpu.dma_semaphore, #tpu.memory_space<semaphore_mem>>)
      %add3A_35 = arith.constant 0 : i32
      %add3A_36 = arith.addi %mul3A_2, %add3A_35 : i32
      %dma_start3A_37 = arith.constant 0 : i32
      %dma_start3A_38 = tpu.memref_slice %arg11[%dma_start3A_37] : memref<10240xi32, #tpu.memory_space<vmem>> -> memref<2560xi32, #tpu.memory_space<vmem>>
      %dma_start3A_39 = tpu.memref_slice %arg3[%add3A_36] : memref<320000xi32, #tpu.memory_space<hbm>> -> memref<2560xi32, #tpu.memory_space<hbm>>
      %dma_start3A_40 = arith.constant 0 : i32
      %dma_start3A_41 = tpu.memref_slice %arg11[%dma_start3A_40] : memref<10240xi32, #tpu.memory_space<vmem>> -> memref<2560xi32, #tpu.memory_space<vmem>>
      %dma_start3A_42 = tpu.memref_slice %arg3[%add3A_36] : memref<320000xi32, #tpu.memory_space<hbm>> -> memref<2560xi32, #tpu.memory_space<hbm>>
      tpu.enqueue_dma source(%dma_start3A_42 : memref<2560xi32, #tpu.memory_space<hbm>>) target(%dma_start3A_41 : memref<2560xi32, #tpu.memory_space<vmem>>) target_semaphore(%arg19 : memref<!tpu.dma_semaphore, #tpu.memory_space<semaphore_mem>>)
      %add3A_43 = arith.constant 0 : i32
      %add3A_44 = arith.addi %mul3A_2, %add3A_43 : i32
      %dma_start3A_45 = arith.constant 0 : i32
      %dma_start3A_46 = arith.constant 0 : i32
      %dma_start3A_47 = tpu.memref_slice %arg12[%dma_start3A_46] : memref<10240xf32, #tpu.memory_space<vmem>> -> memref<2560xf32, #tpu.memory_space<vmem>>
      %dma_start3A_48 = tpu.memref_slice %arg4[%dma_start3A_45, %add3A_44] : memref<1x320000xf32, #tpu.memory_space<hbm>> -> memref<1x2560xf32, #tpu.memory_space<hbm>>
      %dma_start3A_49 = tpu.memref_squeeze %dma_start3A_48 : memref<1x2560xf32, #tpu.memory_space<hbm>> -> memref<2560xf32, #tpu.memory_space<hbm>>
      %dma_start3A_50 = arith.constant 0 : i32
      %dma_start3A_51 = tpu.memref_slice %arg12[%dma_start3A_50] : memref<10240xf32, #tpu.memory_space<vmem>> -> memref<2560xf32, #tpu.memory_space<vmem>>
      %dma_start3A_52 = tpu.memref_slice %arg4[%dma_start3A_45, %add3A_44] : memref<1x320000xf32, #tpu.memory_space<hbm>> -> memref<1x2560xf32, #tpu.memory_space<hbm>>
      %dma_start3A_53 = tpu.memref_squeeze %dma_start3A_52 : memref<1x2560xf32, #tpu.memory_space<hbm>> -> memref<2560xf32, #tpu.memory_space<hbm>>
      tpu.enqueue_dma source(%dma_start3A_53 : memref<2560xf32, #tpu.memory_space<hbm>>) target(%dma_start3A_51 : memref<2560xf32, #tpu.memory_space<vmem>>) target_semaphore(%arg19 : memref<!tpu.dma_semaphore, #tpu.memory_space<semaphore_mem>>)
      %parallel_loop3A = arith.constant 0 : i32
      %parallel_loop3A_54 = arith.constant 10240 : i32
      %parallel_loop3A_55 = arith.constant 16 : i32
      scf.for %parallel_loop3A_100 = %parallel_loop3A to %parallel_loop3A_54 step %parallel_loop3A_55  : i32 {
        %parallel_loop3A_101 = arith.index_cast %parallel_loop3A_100 : i32 to index
        %parallel_loop3A_102 = tpu.vector_load %arg16[%parallel_loop3A_101] {strides = array<i32>} : memref<10240xf32, #tpu.memory_space<vmem>>, vector<16xf32>,
        tpu.vector_store %arg16[%parallel_loop3A_101], %broadcast_in_dim3A_16 {strides = array<i32>} : memref<10240xf32, #tpu.memory_space<vmem>>, vector<16xf32>,
        %parallel_loop3A_103 = arith.index_cast %parallel_loop3A_100 : i32 to index
        %parallel_loop3A_104 = tpu.vector_load %arg17[%parallel_loop3A_103] {strides = array<i32>} : memref<10240xf32, #tpu.memory_space<vmem>>, vector<16xf32>,
        tpu.vector_store %arg17[%parallel_loop3A_103], %broadcast_in_dim3A_16 {strides = array<i32>} : memref<10240xf32, #tpu.memory_space<vmem>>, vector<16xf32>,
      } {sc.loop_unroll_factor = 4 : i64, sc.parallel_access}
      %dma_wait3A = arith.constant 0 : i32
      %dma_wait3A_56 = tpu.memref_slice %arg10[%dma_wait3A] : memref<10240xi32, #tpu.memory_space<vmem>> -> memref<2560xi32, #tpu.memory_space<vmem>>
      %dma_wait3A_57 = tpu.memref_slice %arg2[%add3A_28] : memref<320000xi32, #tpu.memory_space<hbm>> -> memref<2560xi32, #tpu.memory_space<hbm>>
      %dma_wait3A_58 = arith.constant 0 : i32
      %dma_wait3A_59 = tpu.memref_slice %arg10[%dma_wait3A_58] : memref<10240xi32, #tpu.memory_space<vmem>> -> memref<2560xi32, #tpu.memory_space<vmem>>
      %dma_wait3A_60 = tpu.memref_slice %arg2[%add3A_28] : memref<320000xi32, #tpu.memory_space<hbm>> -> memref<2560xi32, #tpu.memory_space<hbm>>
      tpu.wait_dma2 semaphore(%arg19 : memref<!tpu.dma_semaphore, #tpu.memory_space<semaphore_mem>>) src(%dma_wait3A_60 : memref<2560xi32, #tpu.memory_space<hbm>>) dst(%dma_wait3A_59 : memref<2560xi32, #tpu.memory_space<vmem>>)
      %dma_wait3A_61 = arith.constant 0 : i32
      %dma_wait3A_62 = tpu.memref_slice %arg11[%dma_wait3A_61] : memref<10240xi32, #tpu.memory_space<vmem>> -> memref<2560xi32, #tpu.memory_space<vmem>>
      %dma_wait3A_63 = tpu.memref_slice %arg3[%add3A_36] : memref<320000xi32, #tpu.memory_space<hbm>> -> memref<2560xi32, #tpu.memory_space<hbm>>
      %dma_wait3A_64 = arith.constant 0 : i32
      %dma_wait3A_65 = tpu.memref_slice %arg11[%dma_wait3A_64] : memref<10240xi32, #tpu.memory_space<vmem>> -> memref<2560xi32, #tpu.memory_space<vmem>>
      %dma_wait3A_66 = tpu.memref_slice %arg3[%add3A_36] : memref<320000xi32, #tpu.memory_space<hbm>> -> memref<2560xi32, #tpu.memory_space<hbm>>
      tpu.wait_dma2 semaphore(%arg19 : memref<!tpu.dma_semaphore, #tpu.memory_space<semaphore_mem>>) src(%dma_wait3A_66 : memref<2560xi32, #tpu.memory_space<hbm>>) dst(%dma_wait3A_65 : memref<2560xi32, #tpu.memory_space<vmem>>)
      %dma_wait3A_67 = arith.constant 0 : i32
      %dma_wait3A_68 = arith.constant 0 : i32
      %dma_wait3A_69 = tpu.memref_slice %arg12[%dma_wait3A_68] : memref<10240xf32, #tpu.memory_space<vmem>> -> memref<2560xf32, #tpu.memory_space<vmem>>
      %dma_wait3A_70 = tpu.memref_slice %arg4[%dma_wait3A_67, %add3A_44] : memref<1x320000xf32, #tpu.memory_space<hbm>> -> memref<1x2560xf32, #tpu.memory_space<hbm>>
      %dma_wait3A_71 = tpu.memref_squeeze %dma_wait3A_70 : memref<1x2560xf32, #tpu.memory_space<hbm>> -> memref<2560xf32, #tpu.memory_space<hbm>>
      %dma_wait3A_72 = arith.constant 0 : i32
      %dma_wait3A_73 = tpu.memref_slice %arg12[%dma_wait3A_72] : memref<10240xf32, #tpu.memory_space<vmem>> -> memref<2560xf32, #tpu.memory_space<vmem>>
      %dma_wait3A_74 = tpu.memref_slice %arg4[%dma_wait3A_67, %add3A_44] : memref<1x320000xf32, #tpu.memory_space<hbm>> -> memref<1x2560xf32, #tpu.memory_space<hbm>>
      %dma_wait3A_75 = tpu.memref_squeeze %dma_wait3A_74 : memref<1x2560xf32, #tpu.memory_space<hbm>> -> memref<2560xf32, #tpu.memory_space<hbm>>
      tpu.wait_dma2 semaphore(%arg19 : memref<!tpu.dma_semaphore, #tpu.memory_space<semaphore_mem>>) src(%dma_wait3A_75 : memref<2560xf32, #tpu.memory_space<hbm>>) dst(%dma_wait3A_73 : memref<2560xf32, #tpu.memory_space<vmem>>)
      %dma_wait3A_76 = arith.constant 0 : i32
      %dma_wait3A_77 = tpu.memref_slice %arg5[%cond3A_23, %dma_wait3A_76] : memref<2x10000xf32, #tpu.memory_space<hbm>> -> memref<1x10000xf32, #tpu.memory_space<hbm>>
      %dma_wait3A_78 = tpu.memref_squeeze %dma_wait3A_77 : memref<1x10000xf32, #tpu.memory_space<hbm>> -> memref<10000xf32, #tpu.memory_space<hbm>>
      %dma_wait3A_79 = arith.constant 0 : i32
      %dma_wait3A_80 = tpu.memref_slice %arg5[%cond3A_23, %dma_wait3A_79] : memref<2x10000xf32, #tpu.memory_space<hbm>> -> memref<1x10000xf32, #tpu.memory_space<hbm>>
      %dma_wait3A_81 = tpu.memref_squeeze %dma_wait3A_80 : memref<1x10000xf32, #tpu.memory_space<hbm>> -> memref<10000xf32, #tpu.memory_space<hbm>>
      tpu.wait_dma2 semaphore(%arg19 : memref<!tpu.dma_semaphore, #tpu.memory_space<semaphore_mem>>) src(%dma_wait3A_81 : memref<10000xf32, #tpu.memory_space<hbm>>) dst(%arg13 : memref<10000xf32, #tpu.memory_space<vmem>>)
      %dma_wait3A_82 = arith.constant 0 : i32
      %dma_wait3A_83 = tpu.memref_slice %arg5[%cond3A_24, %dma_wait3A_82] : memref<2x10000xf32, #tpu.memory_space<hbm>> -> memref<1x10000xf32, #tpu.memory_space<hbm>>
      %dma_wait3A_84 = tpu.memref_squeeze %dma_wait3A_83 : memref<1x10000xf32, #tpu.memory_space<hbm>> -> memref<10000xf32, #tpu.memory_space<hbm>>
      %dma_wait3A_85 = arith.constant 0 : i32
      %dma_wait3A_86 = tpu.memref_slice %arg5[%cond3A_24, %dma_wait3A_85] : memref<2x10000xf32, #tpu.memory_space<hbm>> -> memref<1x10000xf32, #tpu.memory_space<hbm>>
      %dma_wait3A_87 = tpu.memref_squeeze %dma_wait3A_86 : memref<1x10000xf32, #tpu.memory_space<hbm>> -> memref<10000xf32, #tpu.memory_space<hbm>>
      tpu.wait_dma2 semaphore(%arg19 : memref<!tpu.dma_semaphore, #tpu.memory_space<semaphore_mem>>) src(%dma_wait3A_87 : memref<10000xf32, #tpu.memory_space<hbm>>) dst(%arg14 : memref<10000xf32, #tpu.memory_space<vmem>>)
      tpu.wait_dma2 semaphore(%arg19 : memref<!tpu.dma_semaphore, #tpu.memory_space<semaphore_mem>>) src(%arg6 : memref<2x16xf32, #tpu.memory_space<hbm>>) dst(%arg18 : memref<2x16xf32, #tpu.memory_space<vmem>>)
      %get3A = arith.constant 0 : i32
      %get3A_88 = arith.index_cast %get3A : i32 to index
      %get3A_89 = arith.constant 0 : index
      %get3A_90 = tpu.vector_load %arg18[%get3A_88, %get3A_89] {strides = array<i32>} : memref<2x16xf32, #tpu.memory_space<vmem>>, vector<16xf32>,
      %get3A_91 = arith.constant 1 : i32
      %get3A_92 = arith.index_cast %get3A_91 : i32 to index
      %get3A_93 = arith.constant 0 : index
      %get3A_94 = tpu.vector_load %arg18[%get3A_92, %get3A_93] {strides = array<i32>} : memref<2x16xf32, #tpu.memory_space<vmem>>, vector<16xf32>,
      %broadcast_in_dim3A_95 = arith.constant 1.000000e+00 : f32
      %broadcast_in_dim3A_96 = vector.broadcast %broadcast_in_dim3A_95 : f32 to vector<16xf32>
      %parallel_loop3A_97 = arith.constant 0 : i32
      %parallel_loop3A_98 = arith.constant 2560 : i32
      %parallel_loop3A_99 = arith.constant 16 : i32
      scf.for %parallel_loop3A_100 = %parallel_loop3A_97 to %parallel_loop3A_98 step %parallel_loop3A_99  : i32 {
        %parallel_loop3A_101 = arith.index_cast %parallel_loop3A_100 : i32 to index
        %parallel_loop3A_102 = tpu.vector_load %arg10[%parallel_loop3A_101] {strides = array<i32>} : memref<10240xi32, #tpu.memory_space<vmem>>, vector<16xi32>,
        %parallel_loop3A_103 = arith.index_cast %parallel_loop3A_100 : i32 to index
        %parallel_loop3A_104 = tpu.vector_load %arg11[%parallel_loop3A_103] {strides = array<i32>} : memref<10240xi32, #tpu.memory_space<vmem>>, vector<16xi32>,
        %parallel_loop3A_105 = arith.index_cast %parallel_loop3A_100 : i32 to index
        %parallel_loop3A_106 = tpu.vector_load %arg12[%parallel_loop3A_105] {strides = array<i32>} : memref<10240xf32, #tpu.memory_space<vmem>>, vector<16xf32>,
        %parallel_loop3A_107 = tpu.vector_load_idx %arg13[%parallel_loop3A_102] : memref<10000xf32, #tpu.memory_space<vmem>>[vector<16xi32>], vector<16xf32>,
        %parallel_loop3A_108 = tpu.vector_load_idx %arg14[%parallel_loop3A_104] : memref<10000xf32, #tpu.memory_space<vmem>>[vector<16xi32>], vector<16xf32>,
        %parallel_loop3A_109 = arith.mulf %parallel_loop3A_106, %get3A_90 : vector<16xf32>
        %parallel_loop3A_110 = arith.addf %parallel_loop3A_109, %parallel_loop3A_107 : vector<16xf32>
        %parallel_loop3A_111 = arith.addf %parallel_loop3A_110, %parallel_loop3A_108 : vector<16xf32>
        %parallel_loop3A_112 = arith.addf %parallel_loop3A_111, %get3A_94 : vector<16xf32>
        %parallel_loop3A_113 = arith.constant 0.000000e+00 : f32
        %parallel_loop3A_114 = vector.broadcast %parallel_loop3A_113 : f32 to vector<16xf32>
        %parallel_loop3A_115 = arith.maximumf %parallel_loop3A_112, %parallel_loop3A_114 : vector<16xf32>
        %parallel_loop3A_116 = arith.index_cast %parallel_loop3A_100 : i32 to index
        %parallel_loop3A_117 = tpu.vector_load %arg15[%parallel_loop3A_116] {strides = array<i32>} : memref<10240xf32, #tpu.memory_space<vmem>>, vector<16xf32>,
        tpu.vector_store %arg15[%parallel_loop3A_116], %parallel_loop3A_115 {strides = array<i32>} : memref<10240xf32, #tpu.memory_space<vmem>>, vector<16xf32>,
        tpu.vector_store_idx %arg16[%parallel_loop3A_102], %parallel_loop3A_115 {add = true} : memref<10240xf32, #tpu.memory_space<vmem>>[vector<16xi32>], vector<16xf32>,
        tpu.vector_store_idx %arg17[%parallel_loop3A_102], %broadcast_in_dim3A_96 {add = true} : memref<10240xf32, #tpu.memory_space<vmem>>[vector<16xi32>], vector<16xf32>,
      } {sc.loop_unroll_factor = 8 : i64, sc.parallel_access}
      %run_scoped3A = arith.constant 0 : i32
      "tpu.region"() ({
        %run_scoped3A_100 = tpu.sem_alloc : memref<!tpu.dma_semaphore, #tpu.memory_space<semaphore_mem>>
        %dma_start3A_101 = arith.constant 0 : i32
        %dma_start3A_102 = tpu.memref_slice %arg15[%dma_start3A_101] : memref<10240xf32, #tpu.memory_space<vmem>> -> memref<2560xf32, #tpu.memory_space<vmem>>
        %dma_start3A_103 = tpu.memref_slice %arg7[%run_scoped3A, %mul3A_2] : memref<1x320000xf32, #tpu.memory_space<hbm>> -> memref<1x2560xf32, #tpu.memory_space<hbm>>
        %dma_start3A_104 = tpu.memref_squeeze %dma_start3A_103 : memref<1x2560xf32, #tpu.memory_space<hbm>> -> memref<2560xf32, #tpu.memory_space<hbm>>
        %dma_start3A_105 = tpu.memref_slice %arg7[%run_scoped3A, %mul3A_2] : memref<1x320000xf32, #tpu.memory_space<hbm>> -> memref<1x2560xf32, #tpu.memory_space<hbm>>
        %dma_start3A_106 = tpu.memref_squeeze %dma_start3A_105 : memref<1x2560xf32, #tpu.memory_space<hbm>> -> memref<2560xf32, #tpu.memory_space<hbm>>
        %dma_start3A_107 = arith.constant 0 : i32
        %dma_start3A_108 = tpu.memref_slice %arg15[%dma_start3A_107] : memref<10240xf32, #tpu.memory_space<vmem>> -> memref<2560xf32, #tpu.memory_space<vmem>>
        tpu.enqueue_dma source(%dma_start3A_108 : memref<2560xf32, #tpu.memory_space<vmem>>) target(%dma_start3A_106 : memref<2560xf32, #tpu.memory_space<hbm>>) target_semaphore(%run_scoped3A_100 : memref<!tpu.dma_semaphore, #tpu.memory_space<semaphore_mem>>)
        %dma_wait3A_109 = arith.constant 0 : i32
        %dma_wait3A_110 = tpu.memref_slice %arg15[%dma_wait3A_109] : memref<10240xf32, #tpu.memory_space<vmem>> -> memref<2560xf32, #tpu.memory_space<vmem>>
        %dma_wait3A_111 = tpu.memref_slice %arg7[%run_scoped3A, %mul3A_2] : memref<1x320000xf32, #tpu.memory_space<hbm>> -> memref<1x2560xf32, #tpu.memory_space<hbm>>
        %dma_wait3A_112 = tpu.memref_squeeze %dma_wait3A_111 : memref<1x2560xf32, #tpu.memory_space<hbm>> -> memref<2560xf32, #tpu.memory_space<hbm>>
        %dma_wait3A_113 = tpu.memref_slice %arg7[%run_scoped3A, %mul3A_2] : memref<1x320000xf32, #tpu.memory_space<hbm>> -> memref<1x2560xf32, #tpu.memory_space<hbm>>
        %dma_wait3A_114 = tpu.memref_squeeze %dma_wait3A_113 : memref<1x2560xf32, #tpu.memory_space<hbm>> -> memref<2560xf32, #tpu.memory_space<hbm>>
        %dma_wait3A_115 = arith.constant 0 : i32
        %dma_wait3A_116 = tpu.memref_slice %arg15[%dma_wait3A_115] : memref<10240xf32, #tpu.memory_space<vmem>> -> memref<2560xf32, #tpu.memory_space<vmem>>
        tpu.wait_dma2 semaphore(%run_scoped3A_100 : memref<!tpu.dma_semaphore, #tpu.memory_space<semaphore_mem>>) src(%dma_wait3A_116 : memref<2560xf32, #tpu.memory_space<vmem>>) dst(%dma_wait3A_114 : memref<2560xf32, #tpu.memory_space<hbm>>)
        tpu.yield
      }) : () -> ()
      "tpu.region"() ({
        %run_scoped3A_100 = tpu.sem_alloc : memref<!tpu.dma_semaphore, #tpu.memory_space<semaphore_mem>>
        %dma_start3A_101 = arith.constant 0 : i32
        %dma_start3A_102 = tpu.memref_slice %arg8[%add3A, %dma_start3A_101] : memref<32x10240xf32, #tpu.memory_space<hbm>> -> memref<1x10240xf32, #tpu.memory_space<hbm>>
        %dma_start3A_103 = tpu.memref_squeeze %dma_start3A_102 : memref<1x10240xf32, #tpu.memory_space<hbm>> -> memref<10240xf32, #tpu.memory_space<hbm>>
        %dma_start3A_104 = arith.constant 0 : i32
        %dma_start3A_105 = tpu.memref_slice %arg8[%add3A, %dma_start3A_104] : memref<32x10240xf32, #tpu.memory_space<hbm>> -> memref<1x10240xf32, #tpu.memory_space<hbm>>
        %dma_start3A_106 = tpu.memref_squeeze %dma_start3A_105 : memref<1x10240xf32, #tpu.memory_space<hbm>> -> memref<10240xf32, #tpu.memory_space<hbm>>
        tpu.enqueue_dma source(%arg16 : memref<10240xf32, #tpu.memory_space<vmem>>) target(%dma_start3A_106 : memref<10240xf32, #tpu.memory_space<hbm>>) target_semaphore(%run_scoped3A_100 : memref<!tpu.dma_semaphore, #tpu.memory_space<semaphore_mem>>)
        %dma_wait3A_107 = arith.constant 0 : i32
        %dma_wait3A_108 = tpu.memref_slice %arg8[%add3A, %dma_wait3A_107] : memref<32x10240xf32, #tpu.memory_space<hbm>> -> memref<1x10240xf32, #tpu.memory_space<hbm>>
        %dma_wait3A_109 = tpu.memref_squeeze %dma_wait3A_108 : memref<1x10240xf32, #tpu.memory_space<hbm>> -> memref<10240xf32, #tpu.memory_space<hbm>>
        %dma_wait3A_110 = arith.constant 0 : i32
        %dma_wait3A_111 = tpu.memref_slice %arg8[%add3A, %dma_wait3A_110] : memref<32x10240xf32, #tpu.memory_space<hbm>> -> memref<1x10240xf32, #tpu.memory_space<hbm>>
        %dma_wait3A_112 = tpu.memref_squeeze %dma_wait3A_111 : memref<1x10240xf32, #tpu.memory_space<hbm>> -> memref<10240xf32, #tpu.memory_space<hbm>>
        tpu.wait_dma2 semaphore(%run_scoped3A_100 : memref<!tpu.dma_semaphore, #tpu.memory_space<semaphore_mem>>) src(%arg16 : memref<10240xf32, #tpu.memory_space<vmem>>) dst(%dma_wait3A_112 : memref<10240xf32, #tpu.memory_space<hbm>>)
        tpu.yield
      }) : () -> ()
      "tpu.region"() ({
        %run_scoped3A_100 = tpu.sem_alloc : memref<!tpu.dma_semaphore, #tpu.memory_space<semaphore_mem>>
        %dma_start3A_101 = arith.constant 0 : i32
        %dma_start3A_102 = tpu.memref_slice %arg9[%add3A, %dma_start3A_101] : memref<32x10240xf32, #tpu.memory_space<hbm>> -> memref<1x10240xf32, #tpu.memory_space<hbm>>
        %dma_start3A_103 = tpu.memref_squeeze %dma_start3A_102 : memref<1x10240xf32, #tpu.memory_space<hbm>> -> memref<10240xf32, #tpu.memory_space<hbm>>
        %dma_start3A_104 = arith.constant 0 : i32
        %dma_start3A_105 = tpu.memref_slice %arg9[%add3A, %dma_start3A_104] : memref<32x10240xf32, #tpu.memory_space<hbm>> -> memref<1x10240xf32, #tpu.memory_space<hbm>>
        %dma_start3A_106 = tpu.memref_squeeze %dma_start3A_105 : memref<1x10240xf32, #tpu.memory_space<hbm>> -> memref<10240xf32, #tpu.memory_space<hbm>>
        tpu.enqueue_dma source(%arg17 : memref<10240xf32, #tpu.memory_space<vmem>>) target(%dma_start3A_106 : memref<10240xf32, #tpu.memory_space<hbm>>) target_semaphore(%run_scoped3A_100 : memref<!tpu.dma_semaphore, #tpu.memory_space<semaphore_mem>>)
        %dma_wait3A_107 = arith.constant 0 : i32
        %dma_wait3A_108 = tpu.memref_slice %arg9[%add3A, %dma_wait3A_107] : memref<32x10240xf32, #tpu.memory_space<hbm>> -> memref<1x10240xf32, #tpu.memory_space<hbm>>
        %dma_wait3A_109 = tpu.memref_squeeze %dma_wait3A_108 : memref<1x10240xf32, #tpu.memory_space<hbm>> -> memref<10240xf32, #tpu.memory_space<hbm>>
        %dma_wait3A_110 = arith.constant 0 : i32
        %dma_wait3A_111 = tpu.memref_slice %arg9[%add3A, %dma_wait3A_110] : memref<32x10240xf32, #tpu.memory_space<hbm>> -> memref<1x10240xf32, #tpu.memory_space<hbm>>
        %dma_wait3A_112 = tpu.memref_squeeze %dma_wait3A_111 : memref<1x10240xf32, #tpu.memory_space<hbm>> -> memref<10240xf32, #tpu.memory_space<hbm>>
        tpu.wait_dma2 semaphore(%run_scoped3A_100 : memref<!tpu.dma_semaphore, #tpu.memory_space<semaphore_mem>>) src(%arg17 : memref<10240xf32, #tpu.memory_space<vmem>>) dst(%dma_wait3A_112 : memref<10240xf32, #tpu.memory_space<hbm>>)
        tpu.yield
      }) : () -> ()
    } else {
    }
    return
  }
}

module attributes {stable_mosaic.version = 14 : i64} {
  func.func @_mm_body(%arg0: memref<10000x128xf32, #tpu.memory_space<vmem>>, %arg1: memref<128x130xf32, #tpu.memory_space<vmem>>, %arg2: memref<128xf32, #tpu.memory_space<vmem>>, %arg3: memref<1xf32, #tpu.memory_space<smem>>, %arg4: memref<10000x128xf32, #tpu.memory_space<vmem>>) attributes {dimension_semantics = [], scalar_prefetch = 0 : i64, scratch_operands = 0 : i64, tpu.core_type = #tpu.core_type<tc>} {
    %get3A = arith.constant 0 : index
    %get3A_0 = memref.load %arg3[%get3A] : memref<1xf32, #tpu.memory_space<smem>>
    %get3A_1 = arith.constant 0 : index
    %get3A_2 = arith.constant 129 : index
    %get3A_3 = vector.load %arg1[%get3A_1, %get3A_2] : memref<128x130xf32, #tpu.memory_space<vmem>>, vector<128x1xf32>
    %iota3A = tpu.iota {dimensions = array<i32: 0>} : vector<128x128xi32>
    %iota3A_4 = tpu.iota {dimensions = array<i32: 1>} : vector<128x128xi32>
    %add3A = arith.constant 0 : i32
    %add3A_5 = vector.broadcast %add3A : i32 to vector<128x128xi32>
    %add3A_6 = arith.addi %iota3A, %add3A_5 : vector<128x128xi32>
    %eq3A = arith.cmpi eq, %add3A_6, %iota3A_4 : vector<128x128xi32>
    %convert_element_type3A = arith.extui %eq3A : vector<128x128xi1> to vector<128x128xi32>
    %convert_element_type3A_7 = arith.sitofp %convert_element_type3A : vector<128x128xi32> to vector<128x128xf32>
    %dot_general3A = arith.constant dense<0.000000e+00> : vector<1x128xf32>
    %dot_general3A_8 = tpu.matmul %get3A_3, %convert_element_type3A_7, %dot_general3A {dimension_numbers = #tpu.dot_dimension_numbers<[0], [0], [1], [1], [0, 1, 1, 1], [], []>, transpose_lhs_hint = false} : vector<128x1xf32>, vector<128x128xf32>, vector<1x128xf32> -> vector<1x128xf32>
    %mul3A = vector.broadcast %get3A_0 : f32 to vector<1x128xf32>
    %mul3A_9 = arith.mulf %mul3A, %dot_general3A_8 : vector<1x128xf32>
    %get3A_10 = arith.constant 0 : index
    %get3A_11 = vector.load %arg2[%get3A_10] : memref<128xf32, #tpu.memory_space<vmem>>, vector<128xf32>
    %broadcast_in_dim3A = vector.shape_cast %get3A_11 : vector<128xf32> to vector<1x128xf32>
    %add3A_12 = arith.addf %mul3A_9, %broadcast_in_dim3A : vector<1x128xf32>
    %get3A_13 = arith.constant 0 : index
    %get3A_14 = arith.constant 0 : index
    %get3A_15 = vector.load %arg0[%get3A_13, %get3A_14] : memref<10000x128xf32, #tpu.memory_space<vmem>>, vector<10000x128xf32>
    %get3A_16 = arith.constant 0 : index
    %get3A_17 = arith.constant 1 : index
    %get3A_18 = vector.load %arg1[%get3A_16, %get3A_17] : memref<128x130xf32, #tpu.memory_space<vmem>>, vector<128x128xf32>
    %dot_general3A_19 = arith.constant dense<0.000000e+00> : vector<10000x128xf32>
    %dot_general3A_20 = tpu.matmul %get3A_15, %get3A_18, %dot_general3A_19 {dimension_numbers = #tpu.dot_dimension_numbers<[1], [1], [0], [0], [0, 0, 1, 0], [], []>, transpose_lhs_hint = false} : vector<10000x128xf32>, vector<128x128xf32>, vector<10000x128xf32> -> vector<10000x128xf32>
    %add3A_21 = vector.broadcast %add3A_12 : vector<1x128xf32> to vector<10000x128xf32>
    %add3A_22 = arith.addf %dot_general3A_20, %add3A_21 : vector<10000x128xf32>
    %swap3A = arith.constant 0 : index
    %swap3A_23 = arith.constant 0 : index
    %swap3A_24 = vector.load %arg4[%swap3A, %swap3A_23] : memref<10000x128xf32, #tpu.memory_space<vmem>>, vector<10000x128xf32>
    tpu.vector_store %arg4[%swap3A, %swap3A_23], %add3A_22 {strides = array<i32>} : memref<10000x128xf32, #tpu.memory_space<vmem>>, vector<10000x128xf32>,
    return
  }
}

module attributes {stable_mosaic.version = 14 : i64} {
  func.func @_post_body(%arg0: memref<10000x128xf32, #tpu.memory_space<vmem>>, %arg1: memref<32x10240xf32, #tpu.memory_space<vmem>>, %arg2: memref<32x10240xf32, #tpu.memory_space<vmem>>, %arg3: memref<128x130xf32, #tpu.memory_space<vmem>>, %arg4: memref<1x130xf32, #tpu.memory_space<vmem>>, %arg5: memref<1x130xf32, #tpu.memory_space<smem>>, %arg6: memref<1xf32, #tpu.memory_space<smem>>, %arg7: memref<1xf32, #tpu.memory_space<smem>>, %arg8: memref<10000x128xf32, #tpu.memory_space<vmem>>, %arg9: memref<1x1xf32, #tpu.memory_space<vmem>>) attributes {dimension_semantics = [], scalar_prefetch = 0 : i64, scratch_operands = 0 : i64, tpu.core_type = #tpu.core_type<tc>} {
    %broadcast_in_dim3A = arith.constant 1.000000e+00 : f32
    %broadcast_in_dim3A_0 = vector.broadcast %broadcast_in_dim3A : f32 to vector<1x128xf32>
    %get3A = arith.constant 0 : index
    %get3A_1 = arith.constant 0 : index
    %get3A_2 = vector.load %arg1[%get3A, %get3A_1] : memref<32x10240xf32, #tpu.memory_space<vmem>>, vector<32x10000xf32>
    %reduce_sum3A = arith.constant dense<0.000000e+00> : vector<10000xf32>
    %reduce_sum3A_3 = vector.multi_reduction <add>, %get3A_2, %reduce_sum3A [0] : vector<32x10000xf32> to vector<10000xf32>
    %broadcast_in_dim3A_4 = vector.shape_cast %reduce_sum3A_3 : vector<10000xf32> to vector<1x10000xf32>
    %get3A_5 = arith.constant 0 : index
    %get3A_6 = arith.constant 0 : index
    %get3A_7 = vector.load %arg2[%get3A_5, %get3A_6] : memref<32x10240xf32, #tpu.memory_space<vmem>>, vector<32x10000xf32>
    %reduce_sum3A_8 = arith.constant dense<0.000000e+00> : vector<10000xf32>
    %reduce_sum3A_9 = vector.multi_reduction <add>, %get3A_7, %reduce_sum3A_8 [0] : vector<32x10000xf32> to vector<10000xf32>
    %broadcast_in_dim3A_10 = vector.shape_cast %reduce_sum3A_9 : vector<10000xf32> to vector<1x10000xf32>
    %dot_general3A = arith.constant dense<0.000000e+00> : vector<10000x128xf32>
    %dot_general3A_11 = tpu.matmul %broadcast_in_dim3A_4, %broadcast_in_dim3A_0, %dot_general3A {dimension_numbers = #tpu.dot_dimension_numbers<[0], [0], [1], [1], [0, 1, 1, 1], [], []>, transpose_lhs_hint = false} : vector<1x10000xf32>, vector<1x128xf32>, vector<10000x128xf32> -> vector<10000x128xf32>
    %dot_general3A_12 = arith.constant dense<0.000000e+00> : vector<10000x128xf32>
    %dot_general3A_13 = tpu.matmul %broadcast_in_dim3A_10, %broadcast_in_dim3A_0, %dot_general3A_12 {dimension_numbers = #tpu.dot_dimension_numbers<[0], [0], [1], [1], [0, 1, 1, 1], [], []>, transpose_lhs_hint = false} : vector<1x10000xf32>, vector<1x128xf32>, vector<10000x128xf32> -> vector<10000x128xf32>
    %get3A_14 = arith.constant 0 : index
    %get3A_15 = arith.constant 0 : index
    %get3A_16 = vector.load %arg0[%get3A_14, %get3A_15] : memref<10000x128xf32, #tpu.memory_space<vmem>>, vector<10000x128xf32>
    %get3A_17 = arith.constant 0 : index
    %get3A_18 = arith.constant 0 : index
    %get3A_19 = vector.load %arg3[%get3A_17, %get3A_18] : memref<128x130xf32, #tpu.memory_space<vmem>>, vector<128x1xf32>
    %iota3A = tpu.iota {dimensions = array<i32: 0>} : vector<128x128xi32>
    %iota3A_20 = tpu.iota {dimensions = array<i32: 1>} : vector<128x128xi32>
    %add3A = arith.constant 0 : i32
    %add3A_21 = vector.broadcast %add3A : i32 to vector<128x128xi32>
    %add3A_22 = arith.addi %iota3A, %add3A_21 : vector<128x128xi32>
    %eq3A = arith.cmpi eq, %add3A_22, %iota3A_20 : vector<128x128xi32>
    %convert_element_type3A = arith.extui %eq3A : vector<128x128xi1> to vector<128x128xi32>
    %convert_element_type3A_23 = arith.sitofp %convert_element_type3A : vector<128x128xi32> to vector<128x128xf32>
    %dot_general3A_24 = arith.constant dense<0.000000e+00> : vector<1x128xf32>
    %dot_general3A_25 = tpu.matmul %get3A_19, %convert_element_type3A_23, %dot_general3A_24 {dimension_numbers = #tpu.dot_dimension_numbers<[0], [0], [1], [1], [0, 1, 1, 1], [], []>, transpose_lhs_hint = false} : vector<128x1xf32>, vector<128x128xf32>, vector<1x128xf32> -> vector<1x128xf32>
    %mul3A = vector.broadcast %dot_general3A_25 : vector<1x128xf32> to vector<10000x128xf32>
    %mul3A_26 = arith.mulf %dot_general3A_11, %mul3A : vector<10000x128xf32>
    %add3A_27 = arith.addf %get3A_16, %mul3A_26 : vector<10000x128xf32>
    %max3A = arith.constant 0.000000e+00 : f32
    %max3A_28 = vector.broadcast %max3A : f32 to vector<10000x128xf32>
    %max3A_29 = arith.maximumf %add3A_27, %max3A_28 : vector<10000x128xf32>
    %gt3A = arith.constant 0.000000e+00 : f32
    %gt3A_30 = vector.broadcast %gt3A : f32 to vector<10000x128xf32>
    %gt3A_31 = arith.cmpf ogt, %dot_general3A_13, %gt3A_30 : vector<10000x128xf32>
    %jit3A = arith.constant 0.000000e+00 : f32
    %broadcast_in_dim3A_32 = vector.broadcast %jit3A : f32 to vector<10000x128xf32>
    %select_n3A = arith.select %gt3A_31, %max3A_29, %broadcast_in_dim3A_32 : vector<10000x128xi1>, vector<10000x128xf32>
    %swap3A = arith.constant 0 : index
    %swap3A_33 = arith.constant 0 : index
    %swap3A_34 = vector.load %arg8[%swap3A, %swap3A_33] : memref<10000x128xf32, #tpu.memory_space<vmem>>, vector<10000x128xf32>
    tpu.vector_store %arg8[%swap3A, %swap3A_33], %select_n3A {strides = array<i32>} : memref<10000x128xf32, #tpu.memory_space<vmem>>, vector<10000x128xf32>,
    %reduce_sum3A_35 = arith.constant dense<0.000000e+00> : vector<128xf32>
    %reduce_sum3A_36 = vector.multi_reduction <add>, %select_n3A, %reduce_sum3A_35 [0] : vector<10000x128xf32> to vector<128xf32>
    %div3A = arith.constant 1.000000e+04 : f32
    %div3A_37 = vector.broadcast %div3A : f32 to vector<128xf32>
    %div3A_38 = arith.divf %reduce_sum3A_36, %div3A_37 : vector<128xf32>
    %get3A_39 = arith.constant 0 : index
    %get3A_40 = arith.constant 0 : index
    %get3A_41 = vector.load %arg1[%get3A_39, %get3A_40] : memref<32x10240xf32, #tpu.memory_space<vmem>>, vector<32x10240xf32>
    %reduce_sum3A_42 = vector.shape_cast %get3A_41 : vector<32x10240xf32> to vector<1x32x10240xf32>
    %reduce_sum3A_43 = arith.constant dense<0.000000e+00> : vector<1xf32>
    %reduce_sum3A_44 = vector.multi_reduction <add>, %reduce_sum3A_42, %reduce_sum3A_43 [1, 2] : vector<1x32x10240xf32> to vector<1xf32>
    %reduce_sum3A_45 = vector.shape_cast %reduce_sum3A_44 : vector<1xf32> to vector<1x1x1xf32>
    %reduce_sum3A_46 = vector.extract %reduce_sum3A_45[0, 0, 0] : f32 from vector<1x1x1xf32>
    %div3A_47 = arith.constant 3.200000e+05 : f32
    %div3A_48 = arith.divf %reduce_sum3A_46, %div3A_47 : f32
    %get3A_49 = arith.constant 0 : index
    %get3A_50 = arith.constant 1 : index
    %get3A_51 = vector.load %arg4[%get3A_49, %get3A_50] : memref<1x130xf32, #tpu.memory_space<vmem>>, vector<1x128xf32>
    %get3A_52 = vector.shape_cast %get3A_51 : vector<1x128xf32> to vector<128xf32>
    %mul3A_53 = arith.mulf %get3A_52, %div3A_38 : vector<128xf32>
    %reduce_sum3A_54 = vector.shape_cast %mul3A_53 : vector<128xf32> to vector<1x128xf32>
    %reduce_sum3A_55 = arith.constant dense<0.000000e+00> : vector<1xf32>
    %reduce_sum3A_56 = vector.multi_reduction <add>, %reduce_sum3A_54, %reduce_sum3A_55 [1] : vector<1x128xf32> to vector<1xf32>
    %reduce_sum3A_57 = vector.shape_cast %reduce_sum3A_56 : vector<1xf32> to vector<1x1xf32>
    %reduce_sum3A_58 = vector.extract %reduce_sum3A_57[0, 0] : f32 from vector<1x1xf32>
    %get3A_59 = arith.constant 0 : index
    %get3A_60 = arith.constant 0 : index
    %get3A_61 = memref.load %arg5[%get3A_59, %get3A_60] : memref<1x130xf32, #tpu.memory_space<smem>>
    %get3A_62 = arith.constant 0 : index
    %get3A_63 = arith.constant 129 : index
    %get3A_64 = memref.load %arg5[%get3A_62, %get3A_63] : memref<1x130xf32, #tpu.memory_space<smem>>
    %get3A_65 = arith.constant 0 : index
    %get3A_66 = memref.load %arg7[%get3A_65] : memref<1xf32, #tpu.memory_space<smem>>
    %mul3A_67 = arith.mulf %get3A_64, %get3A_66 : f32
    %get3A_68 = arith.constant 0 : index
    %get3A_69 = memref.load %arg6[%get3A_68] : memref<1xf32, #tpu.memory_space<smem>>
    %add3A_70 = arith.addf %mul3A_67, %get3A_69 : f32
    %mul3A_71 = arith.mulf %get3A_61, %div3A_48 : f32
    %add3A_72 = arith.addf %mul3A_71, %reduce_sum3A_58 : f32
    %add3A_73 = arith.addf %add3A_72, %add3A_70 : f32
    %max3A_74 = arith.constant 0.000000e+00 : f32
    %max3A_75 = arith.maximumf %add3A_73, %max3A_74 : f32
    %reshape3A = vector.broadcast %max3A_75 : f32 to vector<1x1xf32>
    %swap3A_76 = arith.constant 0 : index
    %swap3A_77 = arith.constant 0 : index
    %swap3A_78 = vector.load %arg9[%swap3A_76, %swap3A_77] : memref<1x1xf32, #tpu.memory_space<vmem>>, vector<1x1xf32>
    tpu.vector_store %arg9[%swap3A_76, %swap3A_77], %reshape3A {strides = array<i32>} : memref<1x1xf32, #tpu.memory_space<vmem>>, vector<1x1xf32>,
    return
  }
}

module attributes {stable_mosaic.version = 14 : i64} {
  func.func @_pre_body(%arg0: memref<10000x128xf32, #tpu.memory_space<vmem>>, %arg1: memref<1x258xf32, #tpu.memory_space<vmem>>, %arg2: memref<1x258xf32, #tpu.memory_space<smem>>, %arg3: memref<1xf32, #tpu.memory_space<smem>>, %arg4: memref<1xf32, #tpu.memory_space<smem>>, %arg5: memref<2x10000xf32, #tpu.memory_space<vmem>>, %arg6: memref<2x16xf32, #tpu.memory_space<vmem>>) attributes {dimension_semantics = [], scalar_prefetch = 0 : i64, scratch_operands = 0 : i64, tpu.core_type = #tpu.core_type<tc>} {
    %get3A = arith.constant 0 : index
    %get3A_0 = arith.constant 1 : index
    %get3A_1 = vector.load %arg1[%get3A, %get3A_0] : memref<1x258xf32, #tpu.memory_space<vmem>>, vector<1x128xf32>
    %get3A_2 = arith.constant 0 : index
    %get3A_3 = arith.constant 129 : index
    %get3A_4 = vector.load %arg1[%get3A_2, %get3A_3] : memref<1x258xf32, #tpu.memory_space<vmem>>, vector<1x128xf32>
    %concatenate3A = tpu.concatenate %get3A_1, %get3A_4 in 0 : vector<1x128xf32>, vector<1x128xf32> -> vector<2x128xf32>
    %get3A_5 = arith.constant 0 : index
    %get3A_6 = arith.constant 0 : index
    %get3A_7 = vector.load %arg0[%get3A_5, %get3A_6] : memref<10000x128xf32, #tpu.memory_space<vmem>>, vector<10000x128xf32>
    %dot_general3A = arith.constant dense<0.000000e+00> : vector<2x10000xf32>
    %dot_general3A_8 = tpu.matmul %concatenate3A, %get3A_7, %dot_general3A {dimension_numbers = #tpu.dot_dimension_numbers<[1], [1], [0], [0], [0, 0, 1, 0], [], []>, transpose_lhs_hint = false} : vector<2x128xf32>, vector<10000x128xf32>, vector<2x10000xf32> -> vector<2x10000xf32>
    %swap3A = arith.constant 0 : index
    %swap3A_9 = arith.constant 0 : index
    %swap3A_10 = vector.load %arg5[%swap3A, %swap3A_9] : memref<2x10000xf32, #tpu.memory_space<vmem>>, vector<2x10000xf32>
    tpu.vector_store %arg5[%swap3A, %swap3A_9], %dot_general3A_8 {strides = array<i32>} : memref<2x10000xf32, #tpu.memory_space<vmem>>, vector<2x10000xf32>,
    %get3A_11 = arith.constant 0 : index
    %get3A_12 = arith.constant 0 : index
    %get3A_13 = memref.load %arg2[%get3A_11, %get3A_12] : memref<1x258xf32, #tpu.memory_space<smem>>
    %get3A_14 = arith.constant 0 : index
    %get3A_15 = arith.constant 257 : index
    %get3A_16 = memref.load %arg2[%get3A_14, %get3A_15] : memref<1x258xf32, #tpu.memory_space<smem>>
    %get3A_17 = arith.constant 0 : index
    %get3A_18 = memref.load %arg4[%get3A_17] : memref<1xf32, #tpu.memory_space<smem>>
    %mul3A = arith.mulf %get3A_16, %get3A_18 : f32
    %get3A_19 = arith.constant 0 : index
    %get3A_20 = memref.load %arg3[%get3A_19] : memref<1xf32, #tpu.memory_space<smem>>
    %add3A = arith.addf %mul3A, %get3A_20 : f32
    %broadcast_in_dim3A = vector.broadcast %get3A_13 : f32 to vector<1x16xf32>
    %swap3A_21 = arith.constant 0 : index
    %swap3A_22 = arith.constant 0 : index
    %swap3A_23 = vector.load %arg6[%swap3A_21, %swap3A_22] : memref<2x16xf32, #tpu.memory_space<vmem>>, vector<1x16xf32>
    tpu.vector_store %arg6[%swap3A_21, %swap3A_22], %broadcast_in_dim3A {strides = array<i32>} : memref<2x16xf32, #tpu.memory_space<vmem>>, vector<1x16xf32>,
    %broadcast_in_dim3A_24 = vector.broadcast %add3A : f32 to vector<1x16xf32>
    %swap3A_25 = arith.constant 1 : index
    %swap3A_26 = arith.constant 0 : index
    %swap3A_27 = vector.load %arg6[%swap3A_25, %swap3A_26] : memref<2x16xf32, #tpu.memory_space<vmem>>, vector<1x16xf32>
    tpu.vector_store %arg6[%swap3A_25, %swap3A_26], %broadcast_in_dim3A_24 {strides = array<i32>} : memref<2x16xf32, #tpu.memory_space<vmem>>, vector<1x16xf32>,
    return
  }
}

</mosaic_0001>

<sc_bundles>
// kernel: kernel.6.cloned.1.call-start
scs
__scs_entry_jumppad:
0x0: {  	(pc) =	sbr.rel $0x88, $3  }
0x1: {  	(tag) =	ssettag $0x0;
	lr =	simm.s32 $0x1  }
0x2: {  	[smem:$0x3F96] =	sst lr;
	_ =	strace $0xD0000000  }
0x3: {  	_ = 	snop  }
0x4: {  	_ = 	snop  }
0x5: {  	_ = 	snop  }
0x6: {  	_ = 	snop  }
0x7: {  	_ = 	snop  }
__scs_overlays_trampoline_lowered:
0x8: {  	[smem:$0x3FA5] =	sst s0  }
0x9: {  	[smem:$0x3FA6] =	sst s1  }
0xa: {  	[smem:$0x3FA7] =	sst s2  }
0xb: {  	[smem:$0x3FA8] =	sst s3  }
0xc: {  	[smem:$0x3FA9] =	sst s4  }
0xd: {  	[smem:$0x3FAA] =	sst s5  }
0xe: {  	[smem:$0x3FAB] =	sst s6  }
0xf: {  	[smem:$0x3FAC] =	sst s7  }
0x10: {  	[smem:$0x3FAD] =	sst s8  }
0x11: {  	[smem:$0x3FAE] =	sst s9;
	s0 =	simm.s32 @!p0 $0x0  }
0x12: {  	s1 =	sld [smem:$0x3F94];
	s0 =	simm.s32 @p0 $0x1  }
0x13: {  	[smem:$0x3FAF] =	sst s0;
	s0 =	simm.s32 @!p1 $0x0  }
0x14: {  	s2 =	sld [smem:$0x3F93];
	s0 =	simm.s32 @p1 $0x1  }
0x15: {  	[smem:$0x3FB0] =	sst s0;
	s0 =	simm.s32 @!p2 $0x0  }
0x16: {  	s3 =	sld [smem:$0x3FDB];
	s0 =	simm.s32 @p2 $0x1  }
0x17: {  	s4 =	simm.s32 $0x1BF5;
	[smem:$0x3FB2] =	sst s0  }
0x18: {  	s0 =	sld [smem:$0x3F95];
	_ =	swait.ge [sflag:s4], $0x0  }
0x19: {  	s7 =	sld [smem:$0x3F96]  }
0x1a: {  	s8 =	sadd.s32 $0xFFFFE003, lr  }
0x1b: {  	s9 =	sadd.s32 $0xFFFFFEF7, lr;
	s5 =	simm.s32 $0xFFFFFFFF;
	p2 =	slt.u32 s8, $0xFFFFF086  }
0x1c: {  	p1 =	slt.u32 s9, $0xF7A;
	s5 =	simm.s32 @!p2 $0x0  }
0x1d: {  	s5 =	simm.s32 @p1 $0x1;
	p0 =	seq.s32 s7, s2  }
0x1e: {  	s7 =	smul.u32 @!p0 $0xF7A, s2;
	p2 =	seq.s32 @!p0 s5, $0x0  }
0x1f: {  	s9 =	smul.u32 $0xF7A, s1;
	s8 =	simm.s32 @!p0 $0x1BF5;
	p2 =	por !p2, p0  }
0x20: {  	[sflag:s8] =	ssyncset.s32 @!p0 $0xFFFFF086;
	s6 =	sadd.s32 @!p0 s3, s7;
	s7 =	simm.s32 @!p0 $0x108  }
0x21: {  	s3 =	sadd.s32 s3, s9;
	s6 =	sadd.s32 @!p0 $0x88, s6;
	s7 =	simm.s32 @p2 $0x1082  }
0x22: {  	[simem:s7], [sflag:s8] =	dma.local @!p0 [hbm:s6], $0xF7A  }
0x23: {  	s9 =	sor.u32 $0xD0000000, s2;
	s6 =	simm.s32 $0x108;
	_ =	swait.ge @!p0 [sflag:s8], $0x0  }
0x24: {  	s3 =	sadd.s32 $0x88, s3;
	s6 =	simm.s32 @!p1 $0x1082;
	[sflag:s4] =	ssyncset.s32 $0xFFFFF086  }
0x25: {  	[simem:s6], [sflag:s4] =	dma.local [hbm:s3], $0xF7A  }
0x26: {  	[smem:$0x3F96] =	sst s1;
	(tag) =	ssettag s2;
	_ =	strace s9  }
0x27: {  	s1 =	sld [smem:$0x3FA6]  }
0x28: {  	s2 =	sld [smem:$0x3FA7]  }
0x29: {  	s4 =	sld [smem:$0x3FA9]  }
0x2a: {  	p0 =	seq.s32 s5, $0x0;
	s5 =	sld [smem:$0x3FAA]  }
0x2b: {  	s6 =	sld [smem:$0x3FAB]  }
0x2c: {  	s7 =	sld [smem:$0x3FAC]  }
0x2d: {  	s3 =	simm.s32 $0x108;
	s8 =	sld [smem:$0x3FAD]  }
0x2e: {  	s3 =	simm.s32 @!p0 $0x1082;
	s9 =	sld [smem:$0x3FAE]  }
0x2f: {  	lr =	sadd.s32 s0, s3;
	s0 =	sld [smem:$0x3FA5]  }
0x30: {  	s3 =	sld [smem:$0x3FA8]  }
0x31: {  	[smem:$0x3FB1] =	sst s10  }
0x32: {  	s10 =	sld [smem:$0x3FAF];
	_ =	sdelay $0x3  }
0x33: {  	p0 =	seq.s32 s10, $0x1;
	s10 =	sld [smem:$0x3FB1];
	_ =	sdelay $0x3  }
0x34: {  	[smem:$0x3FB1] =	sst s10  }
0x35: {  	s10 =	sld [smem:$0x3FB0];
	_ =	sdelay $0x3  }
0x36: {  	p1 =	seq.s32 s10, $0x1;
	s10 =	sld [smem:$0x3FB1];
	_ =	sdelay $0x3  }
0x37: {  	[smem:$0x3FB1] =	sst s10  }
0x38: {  	s10 =	sld [smem:$0x3FB2]  }
0x39: {  	_ = 	snop;
	(pc) =	sbr.ind lr, $3  }
0x3a: {  	_ = 	snop  }
0x3b: {  	_ = 	snop  }
0x3c: {  	p2 =	seq.s32 s10, $0x1;
	s10 =	sld [smem:$0x3FB1]  }
0x3d: {  	_ =	shalt  }
0x3e: {  	_ =	shalt  }
0x3f: {  	_ =	shalt  }
0x40: {  	_ =	shalt  }
0x41: {  	_ =	shalt  }
0x42: {  	_ =	shalt  }
0x43: {  	_ =	shalt  }
0x44: {  	_ =	shalt  }
0x45: {  	_ =	shalt  }
0x46: {  	_ =	shalt  }
0x47: {  	_ =	shalt  }
0x48: {  	_ =	shalt  }
0x49: {  	_ =	shalt  }
0x4a: {  	_ =	shalt  }
0x4b: {  	_ =	shalt  }
0x4c: {  	_ =	shalt  }
0x4d: {  	_ =	shalt  }
0x4e: {  	_ =	shalt  }
0x4f: {  	_ =	shalt  }
0x50: {  	_ =	shalt  }
0x51: {  	_ =	shalt  }
0x52: {  	_ =	shalt  }
0x53: {  	_ =	shalt  }
0x54: {  	_ =	shalt  }
0x55: {  	_ =	shalt  }
0x56: {  	_ =	shalt  }
0x57: {  	_ =	shalt  }
0x58: {  	_ =	shalt  }
0x59: {  	_ =	shalt  }
0x5a: {  	_ =	shalt  }
0x5b: {  	_ =	shalt  }
0x5c: {  	_ =	shalt  }
0x5d: {  	_ =	shalt  }
0x5e: {  	_ =	shalt  }
0x5f: {  	_ =	shalt  }
0x60: {  	_ =	shalt  }
0x61: {  	_ =	shalt  }
0x62: {  	_ =	shalt  }
0x63: {  	_ =	shalt  }
0x64: {  	_ =	shalt  }
0x65: {  	_ =	shalt  }
0x66: {  	_ =	shalt  }
0x67: {  	_ =	shalt  }
0x68: {  	_ =	shalt  }
0x69: {  	_ =	shalt  }
0x6a: {  	_ =	shalt  }
0x6b: {  	_ =	shalt  }
0x6c: {  	_ =	shalt  }
0x6d: {  	_ =	shalt  }
0x6e: {  	_ =	shalt  }
0x6f: {  	_ =	shalt  }
0x70: {  	_ =	shalt  }
0x71: {  	_ =	shalt  }
0x72: {  	_ =	shalt  }
0x73: {  	_ =	shalt  }
0x74: {  	_ =	shalt  }
0x75: {  	_ =	shalt  }
0x76: {  	_ =	shalt  }
0x77: {  	_ =	shalt  }
0x78: {  	_ =	shalt  }
0x79: {  	_ =	shalt  }
0x7a: {  	_ =	shalt  }
0x7b: {  	_ =	shalt  }
0x7c: {  	_ =	shalt  }
0x7d: {  	_ =	shalt  }
0x7e: {  	_ =	shalt  }
0x7f: {  	_ =	shalt  }
0x80: {  	_ =	shalt  }
0x81: {  	_ =	shalt  }
0x82: {  	_ =	shalt  }
0x83: {  	_ =	shalt  }
0x84: {  	_ =	shalt  }
0x85: {  	_ =	shalt  }
0x86: {  	_ =	shalt  }
0x87: {  	_ =	shalt  }
.Lfunc_end0:
.L_simem_size_0:
called_computation_lowered:
.L_overlay_start_0:
0x88: {  	s2 =	sld [smem:$0x3FD9]  }
0x89: {  	s3 =	sld [smem:$0x3FFE];
	_ =	sdelay $0x1  }
0x8a: {  	s1 =	srdreg.scid  }
0x8b: {  	s0 =	sand.u32 $0x1, s1  }
0x8c: {  	s14 =	sshll.u32 s0, $0xA;
	s2 =	sadd.s32 s3, s2  }
0x8d: {  	s2 =	sadd.s32 s2, s14  }
0x8e: {  	[smem:$0x3FBD] =	sst s2  }
0x8f: {  	_ = 	snop  }
0x90: {  	s2 =	sld [smem:$0x3FD0]  }
0x91: {  	s15 =	sld [smem:$0x3FC9]  }
0x92: {  	s4 =	sld [smem:$0x3FC6]  }
0x93: {  	s6 =	simm.s32 $0xA;
	s7 =	simm.s32 $0x10;
	s5 =	sld [smem:$0x3FC5]  }
0x94: {  	[smem:s7], [sflag:s6] =	dma.local [hbm:s2], $0x1  }
0x95: {  	_ =	swait.eq [sflag:s6], $0x1  }
0x96: {  	[sflag:s6] =	ssyncset.done $0x0  }
0x97: {  	s16 =	sld [smem:$0x10];
	[sflag:s6] =	ssyncadd.s32 $0xFFFFFFFF  }
0x98: {  	s17 =	sld [smem:$0x11];
	(tm) =	ssettm $0x1  }
0x99: {  	s18 =	sld [smem:$0x3FFB];
	_ =	sdelay $0x3  }
0x9a: {  	_ =	strace s18  }
0x9b: {  	s7 =	sld [smem:$0x3FFC];
	_ =	sdelay $0x3  }
0x9c: {  	_ =	strace s7  }
0x9d: {  	s7 =	sld [smem:$0x3FFD];
	_ =	sdelay $0x3  }
0x9e: {  	_ =	strace s7  }
0x9f: {  	_ =	strace $0x8FFFFFFF  }
0xa0: {  	s19 =	sld [smem:$0x3FDB];
	_ =	sdelay $0x1  }
0xa1: {  	s8 =	simm.s32 $_scs_section_size  }
0xa2: {  	s9 =	simm.s32 $_size__tile_overlayer_lowered;
	s10 =	simm.s32 $_tile_overlayer_lowered  }
0xa3: {  	s22 =	simm.s32 $0x1BFF;
	s21 =	sshll.u32 s10, $0x1;
	s7 =	sadd.s32 s8, s19  }
0xa4: {  	s11 =	simm.s32 $0x0;
	s20 =	sshll.u32 s9, $0x1;
	s9 =	sadd.s32 s21, s7  }
0xa5: {  	[timem:s11], [sflag:s22] =	dma.local [hbm:s9], s20  }
0xa6: {  	_ =	swait.ge [sflag:s22], s20  }
0xa7: {  	s8 =	ssub.s32 $0x0, s20;
	[sflag:s22] =	ssyncset.done $0x0  }
0xa8: {  	[sflag:s22] =	ssyncadd.s32 s8;
	_ =	sdelay $0x1  }
0xa9: {  	s23 =	simm.s32 $0x1B8B  }
0xaa: {  	_ =	swait.ge [sflag:s23], $0x1  }
0xab: {  	[sflag:s23] =	ssyncset.done $0x0  }
0xac: {  	s25 =	simm.s32 $0x1B8E;
	s24 =	sld [smem:$0x3FFE];
	[sflag:s23] =	ssyncadd.s32 $0xFFFFFFFF  }
0xad: {  	s26 =	simm.s32 $execute0_lowered;
	[smem:$0x3FD2] =	sst s25  }
0xae: {  	s9 =	sshll.u32 s26, $0x1;
	_ =	strace $0x80000046;
	[dreg:$0x1] =	wrdreg $0xFFFFFFFF  }
0xaf: {  	s28 =	simm.s32 $_size_execute0_lowered;
	s7 =	sadd.s32 s7, s9;
	[dreg:$0x0] =	wrdreg $0x0  }
0xb0: {  	s9 =	sshll.u32 s28, $0x1;
	[dreg:$0x2] =	wrdreg s7  }
0xb1: {  	[dreg:$0x3] =	wrdreg s9  }
0xb2: {  	[dreg:$0x4] =	wrdreg $0xC0  }
0xb3: {  	_ =	task [dreg:s11], $0x5FFFF  }
0xb4: {  	[dreg:$0x1] =	wrdreg $0xFFFFFFFF  }
0xb5: {  	[dreg:$0x0] =	wrdreg $0x60  }
0xb6: {  	[dreg:$0x2] =	wrdreg s4  }
0xb7: {  	[dreg:$0x3] =	wrdreg s5  }
0xb8: {  	[dreg:$0x4] =	wrdreg s15  }
0xb9: {  	[dreg:$0x5] =	wrdreg s24  }
0xba: {  	[dreg:$0x6] =	wrdreg s16  }
0xbb: {  	[dreg:$0x7] =	wrdreg s17  }
0xbc: {  	[dreg:$0x8] =	wrdreg $0x9  }
0xbd: {  	_ =	task.clear_ibuf [dreg:s11], $0x9FFFF;
	_ =	strace $0x90000046  }
0xbe: {  	s29 =	simm.s32 $0x9;
	_ =	strace $0x80000048  }
0xbf: {  	_ =	swait.ge [sflag:s29], $0x1  }
0xc0: {  	[sflag:s29] =	ssyncadd.s32 $0xFFFFFFFF  }
0xc1: {  	_ =	strace $0x90000048  }
0xc2: {  	_ =	sfence  }
0xc3: {  	s30 =	sld [smem:$0x0];
	_ =	sdelay $0x2  }
0xc4: {  	s31 =	sshll.u32 s1, $0xD;
	s1 =	sshrl.u32 s1, $0x2  }
0xc5: {  	s3 =	sand.u32 $0x4000, s31;
	s1 =	sadd.s32 s1, s30  }
0xc6: {  	s0 =	sor.u32 s3, s0;
	s1 =	sshll.u32 s1, $0x11  }
0xc7: {  	s0 =	sor.u32 s1, s0  }
0xc8: {  	s0 =	sadd.s32 $0x8F2B, s0  }
0xc9: {  	[sflag:s0] =	ssyncadd.remote.s32 $0x1  }
0xca: {  	_ =	sfence.sel $0xFFFF  }
0xcb: {  	[dreg:$0x0] =	wrdreg $0xFFFFFFFF;
	(pc) =	sbr.abs _section_cstart, $3  }
0xcc: {  	[dreg:$0x1] =	wrdreg $0xFFFFFFFF  }
0xcd: {  	_ =	task.clear_ibuf [dreg:s11], $0x2FFFF;
	_ =	strace $0x9FFFFFFF  }
0xce: {  	(tm) =	ssettm $0x7FFFFFFF  }
0xcf: {  	_ =	shalt  }
tec
execute0_lowered:
.L_overlay_start_1:
0x0: {  	(tag) =	ssettag $0x1  }
0x1: {  	s0 =	rddreg [dreg:$0x0]  }
0x2: {  	s1 =	rddreg [dreg:$0x1]  }
0x3: {  	s4 =	rddreg [dreg:$0x2]  }
0x4: {  	s5 =	rddreg [dreg:$0x3]  }
0x5: {  	s6 =	rddreg [dreg:$0x4]  }
0x6: {  	s7 =	rddreg [dreg:$0x5]  }
0x7: {  	s2 =	srdreg.scid;
	s9 =	stileid.u32  }
0x8: {  	s29 =	simm.s32 $0x80;
	s30 =	simm.s32 $0x100;
	s31 =	simm.s32 $0x7800  }
0x9: {  	s3 =	sand.u32 $0x1, s2;
	s8 =	sshll.u32 s9, $0x1;
	s9 =	sshrl.u32 s9, $0x2  }
0xa: {  	s2 =	simm.s32 $0x0;
	s8 =	sor.u32 s3, s8;
	s9 =	smul.u32 $0x14000, s9  }
0xb: {  	[smem:$0x7FF] =	sst s2;
	s15 =	ssub.s32 $0x2, s3;
	s11 =	smul.u32 $0x2800, s8  }
0xc: {  	s3 =	sadd.s32 $0x2600, s5;
	s10 =	sshll.u32 s8, $0x7;
	_ =	strace $0x80000047  }
0xd: {  	s12 =	sshrl.u32 s15, $0x1;
	p0 =	seq.s32 s8, $0x1F;
	s11 =	sshrl.u32 s11, $0x3  }
0xe: {  	s8 =	simm.s32 $0x0;
	s10 =	sand.u32 $0x380, s10;
	s16 =	sadd.s32 s0, s11  }
0xf: {  	s9 =	sor.u32 s9, s10;
	s17 =	sadd.s32 s1, s11;
	[dreg:$0x7] =	wrdreg s16  }
0x10: {  	s18 =	sadd.s32 $0x140, s11;
	s14 =	sadd.s32 s4, s11;
	[dreg:$0x8] =	wrdreg s17  }
0x11: {  	s10 =	ssub.s32 s15, s12;
	[dreg:$0x9] =	wrdreg s14;
	s19 =	sadd.s32 s0, s18  }
0x12: {  	s9 =	sshrl.u32 s9, $0x3;
	s15 =	sadd.s32 s1, s18;
	[dreg:$0xa] =	wrdreg s19  }
0x13: {  	s20 =	sadd.s32 $0x280, s11;
	s12 =	sadd.s32 s4, s18;
	[dreg:$0xb] =	wrdreg s15  }
0x14: {  	s24 =	sadd.s32 $0x3C0, s11;
	s21 =	sadd.s32 s0, s20;
	[dreg:$0xc] =	wrdreg s12  }
0x15: {  	s28 =	smax.u32 s10, $0x1;
	s22 =	sadd.s32 s1, s20;
	[dreg:$0xd] =	wrdreg s21  }
0x16: {  	s13 =	sadd.s32 s9, s5;
	s23 =	sadd.s32 s4, s20;
	[dreg:$0xe] =	wrdreg s22  }
0x17: {  	s25 =	sadd.s32 s0, s24;
	s26 =	sadd.s32 s1, s24;
	[dreg:$0xf] =	wrdreg s23  }
0x18: {  	s16 =	sadd.s32 s6, s11;
	s17 =	sadd.s32 s7, s9;
	[dreg:$0x10] =	wrdreg s25  }
0x19: {  	s20 =	sadd.s32 $0x9B00, s1;
	s1 =	simm.s32 $0x1;
	[dreg:$0x11] =	wrdreg s26  }
.Ltmp0:
0x1a: {  	s15 =	sadd.s32 s4, s24;
	s18 =	sadd.s32 $0x3200, s13;
	(pc) =	sbr.rel .LBB2_1-.Ltmp0, $4  }
0x1b: {  	s19 =	sadd.s32 $0x9B00, s0;
	s21 =	sadd.s32 $0x9B00, s4;
	s22 =	sadd.s32 $0x9B00, s6  }
0x1c: {  	s23 =	sadd.s32 $0x7870, s7;
	s24 =	sadd.s32 $0x3000, s5;
	s25 =	sadd.s32 $0x2610, s5  }
0x1d: {  	s26 =	sadd.s32 $0xAA70, s5;
	s0 =	simm.s32 $0x9F80;
	s4 =	simm.s32 $0xEF00  }
0x1e: {  	v0 =	vimm.f32 $0.0e+00;
	v1 =	vimm.f32 $1.000000000e+00;
	s5 =	simm.s32 $0x11700;
	s6 =	simm.s32 $0x2;
	s7 =	simm.s32 $0x400  }
.LBB2_17:
0x1f: {  	_ =	sdelay $0x3  }
0x20: {  	[tilespmem:v8+s4+$0x0] =	vst.idx.add.f32.msk $0xffff, v11  }
0x21: {  	[tilespmem:s11+$0x10] =	vst v12  }
0x22: {  	[tilespmem:s11+$0xFFFFFFD0] =	vst v14  }
0x23: {  	v61 =	vmax.f32 v18, $0.0e+00;
	[tilespmem:v6+s5+$0x0] =	vst.idx.add.f32.msk $0xffff, v1  }
0x24: {  	[tilespmem:s11+$0x30] =	vst v61  }
0x25: {  	[tilespmem:v8+s5+$0x0] =	vst.idx.add.f32.msk $0xffff, v1  }
0x26: {  	v7 =	vmul.f32 v16, v7;
	[tilespmem:v9+s4+$0x0] =	vst.idx.add.f32.msk $0xffff, v14  }
0x27: {  	[tilespmem:v2+s4+$0x0] =	vst.idx.add.f32.msk $0xffff, v12  }
0x28: {  	v7 =	vadd.f32 v17, v7;
	[tilespmem:v5+s4+$0x0] =	vst.idx.add.f32.msk $0xffff, v61  }
0x29: {  	v62 =	vadd.f32 v15, v3;
	[tilespmem:v2+s5+$0x0] =	vst.idx.add.f32.msk $0xffff, v1  }
0x2a: {  	[tilespmem:v9+s5+$0x0] =	vst.idx.add.f32.msk $0xffff, v1;
	v7 =	vadd.f32 v13, v7  }
0x2b: {  	v63 =	vmax.f32 v62, $0.0e+00;
	[tilespmem:v5+s5+$0x0] =	vst.idx.add.f32.msk $0xffff, v1  }
0x2c: {  	[tilespmem:s11+$0xFFFFFFF0] =	vst v63;
	v3 =	vadd.f32 v7, v3  }
0x2d: {  	[tilespmem:v4+s4+$0x0] =	vst.idx.add.f32.msk $0xffff, v63  }
0x2e: {  	[tilespmem:v4+s5+$0x0] =	vst.idx.add.f32.msk $0xffff, v1;
	v3 =	vmax.f32 v3, $0.0e+00  }
0x2f: {  	[tilespmem:s11+$0xFFFFFFE0] =	vst v3  }
0x30: {  	[tilespmem:v10+s4+$0x0] =	vst.idx.add.f32.msk $0xffff, v3  }
0x31: {  	s9 =	simm.s32 $0xC700;
	[tilespmem:v10+s5+$0x0] =	vst.idx.add.f32.msk $0xffff, v1  }
0x32: {  	[hbm4b:s22+s2] =	stream.linear.scatter [tilespmem:s9], [sflag:$0x2], $0xA00, $0x38;
	[tilespmem:$0x14000] =	vst v63  }
0x33: {  	_ =	swait.ge [sflag:s6], $0xA00  }
0x34: {  	[sflag:s6] =	ssyncset.done $0x0  }
0x35: {  	s10 =	smov.u32 s23;
	s9 =	smov.u32 s26;
	[sflag:s6] =	ssyncadd.s32 $0xFFFFF600  }
.LBB2_18:
0x36: {  	[hbm4b:s10+s29] =	stream.strided.scatter [tilespmem:s4], [sflag:$0x2], $0x2800, s7, s29, $0x38;
	[tilespmem:$0x14000] =	vst v63  }
0x37: {  	s8 =	sadd.s32 $0x1, s8;
	_ =	swait.ge [sflag:s6], $0x2800  }
0x38: {  	p1 =	sne.s32 s8, s28;
	[sflag:s6] =	ssyncset.done $0x0  }
.Ltmp1:
0x39: {  	[sflag:s6] =	ssyncadd.s32 $0xFFFFD800;
	(pc) =	sbr.rel @!p1 .LBB2_19-.Ltmp1, $4  }
0x3a: {  	[hbm4b:s9+s29] =	stream.strided.scatter [tilespmem:s5], [sflag:$0x2], $0x2800, s7, s29, $0x38;
	[tilespmem:$0x14000] =	vst v63  }
0x3b: {  	_ =	swait.ge [sflag:s6], $0x2800  }
0x3c: {  	[sflag:s6] =	ssyncset.done $0x0  }
0x3d: {  	[sflag:s6] =	ssyncadd.s32 $0xFFFFD800  }
.LBB2_1:
0x3e: {  	[tilespmem:s31], [sflag:$0x1] =	stream.strided.gather [hbm4b:s3+s29], $0x2780, s30, s29, $0x38;
	[tilespmem:$0x14000] =	vst v63  }
.Ltmp2:
0x3f: {  	_ = 	snop;
	(pc) =	sbr.rel @!p0 .LBB2_2-.Ltmp2, $4  }
0x40: {  	_ = 	snop  }
0x41: {  	[tilespmem:s0], [sflag:$0x1] =	stream.strided.gather [hbm4b:s25+s29], $0x2780, s30, s29, $0x38;
	[tilespmem:$0x14000] =	vst v63  }
0x42: {  	s9 =	simm.s32 $0x13F00  }
0x43: {  	[tilespmem:s9], [sflag:$0x1] =	stream.linear.gather [hbm4b:s24+s2], $0x100, $0x38;
	[tilespmem:$0x14000] =	vst v63  }
0x44: {  	[tilespmem:s2], [sflag:$0x1] =	stream.linear.gather [hbm4b:s19+s2], $0xA00, $0x38;
	[tilespmem:$0x14000] =	vst v63  }
0x45: {  	s9 =	simm.s32 $0x2800  }
0x46: {  	[tilespmem:s9], [sflag:$0x1] =	stream.linear.gather [hbm4b:s20+s2], $0xA00, $0x38;
	[tilespmem:$0x14000] =	vst v63  }
0x47: {  	s14 =	simm.s32 $0x5000;
	s10 =	simm.s32 $0xEF20  }
0x48: {  	[tilespmem:s14], [sflag:$0x1] =	stream.linear.gather [hbm4b:s21+s2], $0xA00, $0x38;
	[tilespmem:$0x14000] =	vst v63  }
0x49: {  	[tilespmem:s10+$0xFFFFFFF0] =	vst v0  }
0x4a: {  	[tilespmem:s10+$0x0] =	vst v0  }
0x4b: {  	[tilespmem:s10+$0x10] =	vst v0  }
0x4c: {  	s9 =	simm.s32 $0x11720;
	[tilespmem:s10+$0xFFFFFFE0] =	vst v0  }
0x4d: {  	[tilespmem:s9+$0xFFFFFFF0] =	vst v0  }
0x4e: {  	[tilespmem:s9+$0x0] =	vst v0  }
0x4f: {  	[tilespmem:s9+$0x10] =	vst v0  }
0x50: {  	s11 =	simm.s32 $0xEF60;
	s10 =	simm.s32 $0x0;
	[tilespmem:s9+$0xFFFFFFE0] =	vst v0  }
.LBB2_14:
0x51: {  	[tilespmem:s11+$0xFFFFFFF0] =	vst v0;
	s9 =	sadd.s32 $0x40, s9  }
0x52: {  	s10 =	sadd.s32 $0x40, s10;
	[tilespmem:s9+$0xFFFFFFF0] =	vst v0  }
0x53: {  	p1 =	slt.u32 s10, $0x27C0;
	[tilespmem:s11+$0x0] =	vst v0  }
.Ltmp3:
0x54: {  	[tilespmem:s9+$0x0] =	vst v0;
	(pc) =	sbr.rel @p1 .LBB2_14-.Ltmp3, $4  }
0x55: {  	[tilespmem:s11+$0x10] =	vst v0  }
0x56: {  	[tilespmem:s9+$0x10] =	vst v0  }
0x57: {  	[tilespmem:s11+$0xFFFFFFE0] =	vst v0  }
0x58: {  	s11 =	sadd.s32 $0x40, s11;
	[tilespmem:s9+$0xFFFFFFE0] =	vst v0  }
0x59: {  	_ =	swait.ge [sflag:s1], $0xA00  }
0x5a: {  	[sflag:s1] =	ssyncset.done $0x0  }
0x5b: {  	[sflag:s1] =	ssyncadd.s32 $0xFFFFF600  }
0x5c: {  	_ =	swait.ge [sflag:s1], $0xA00  }
0x5d: {  	[sflag:s1] =	ssyncset.done $0x0  }
0x5e: {  	[sflag:s1] =	ssyncadd.s32 $0xFFFFF600  }
0x5f: {  	_ =	swait.ge [sflag:s1], $0xA00  }
0x60: {  	[sflag:s1] =	ssyncset.done $0x0  }
0x61: {  	[sflag:s1] =	ssyncadd.s32 $0xFFFFF600  }
0x62: {  	_ =	swait.ge [sflag:s1], $0x2780  }
0x63: {  	[sflag:s1] =	ssyncset.done $0x0  }
0x64: {  	[sflag:s1] =	ssyncadd.s32 $0xFFFFD880  }
0x65: {  	_ =	swait.ge [sflag:s1], $0x2780  }
0x66: {  	[sflag:s1] =	ssyncset.done $0x0  }
0x67: {  	[sflag:s1] =	ssyncadd.s32 $0xFFFFD880  }
0x68: {  	_ =	swait.ge [sflag:s1], $0x100  }
0x69: {  	[sflag:s1] =	ssyncset.done $0x0  }
0x6a: {  	[sflag:s1] =	ssyncadd.s32 $0xFFFFFF00  }
0x6b: {  	v7 =	vld [tilespmem:$0x13F00]  }
0x6c: {  	s9 =	simm.s32 $0x2840;
	v3 =	vld [tilespmem:$0x13F80]  }
0x6d: {  	s10 =	simm.s32 $0x40;
	v4 =	vld [tilespmem:s9+$0x20]  }
0x6e: {  	v11 =	vld [tilespmem:s10+$0x20]  }
0x6f: {  	v10 =	vld [tilespmem:s9+$0x0]  }
0x70: {  	v6 =	vld [tilespmem:s9+$0x10]  }
0x71: {  	v5 =	vld [tilespmem:s10+$0x30]  }
0x72: {  	v8 =	vld [tilespmem:s10+$0xFFFFFFC0]  }
0x73: {  	v12 =	vld [tilespmem:s9+$0xFFFFFFC0]  }
0x74: {  	v2 =	vld [tilespmem:s10+$0x10]  }
0x75: {  	s11 =	simm.s32 $0x5040;
	v13 =	vld [tilespmem:s9+$0x30]  }
0x76: {  	v16 =	vld [tilespmem:s11+$0xFFFFFFC0]  }
0x77: {  	v19 =	vld [tilespmem:s9+$0xFFFFFFF0]  }
0x78: {  	v20 =	vld [tilespmem:s9+$0xFFFFFFD0]  }
0x79: {  	v21 =	vld [tilespmem:s11+$0x30]  }
0x7a: {  	v23 =	vld [tilespmem:s11+$0x20]  }
0x7b: {  	v24 =	vld [tilespmem:s9+$0xFFFFFFE0]  }
0x7c: {  	v25 =	vld [tilespmem:s11+$0x10]  }
0x7d: {  	v9 =	vld [tilespmem:s10+$0xFFFFFFD0]  }
0x7e: {  	v26 =	vld [tilespmem:s11+$0x0]  }
0x7f: {  	v27 =	vld [tilespmem:s11+$0xFFFFFFF0]  }
0x80: {  	v17 =	vld.idx.msk [tilespmem:v6+s0+$0x0], $0xffff  }
0x81: {  	v6 =	vld [tilespmem:s10+$0x0]  }
0x82: {  	v28 =	vld [tilespmem:s11+$0xFFFFFFD0]  }
0x83: {  	v14 =	vld.idx.msk [tilespmem:v11+s31+$0x0], $0xffff  }
0x84: {  	v15 =	vld.idx.msk [tilespmem:v4+s0+$0x0], $0xffff  }
0x85: {  	v4 =	vld [tilespmem:s10+$0xFFFFFFF0]  }
0x86: {  	v18 =	vld.idx.msk [tilespmem:v2+s31+$0x0], $0xffff  }
0x87: {  	v20 =	vld.idx.msk [tilespmem:v20+s0+$0x0], $0xffff  }
0x88: {  	v23 =	vmul.f32 v23, v7;
	v30 =	vld.idx.msk [tilespmem:v8+s31+$0x0], $0xffff  }
0x89: {  	v29 =	vld.idx.msk [tilespmem:v6+s31+$0x0], $0xffff  }
0x8a: {  	v31 =	vld.idx.msk [tilespmem:v10+s0+$0x0], $0xffff;
	v10 =	vadd.f32 v14, v23  }
0x8b: {  	v25 =	vmul.f32 v25, v7;
	v12 =	vld.idx.msk [tilespmem:v12+s0+$0x0], $0xffff  }
0x8c: {  	v59 =	vmul.f32 v26, v7;
	v14 =	vld.idx.msk [tilespmem:v9+s31+$0x0], $0xffff;
	v15 =	vadd.f32 v15, v10  }
0x8d: {  	v16 =	vmul.f32 v16, v7;
	v61 =	vld.idx.msk [tilespmem:v5+s31+$0x0], $0xffff;
	v18 =	vadd.f32 v18, v25  }
0x8e: {  	v63 =	vld.idx.msk [tilespmem:v13+s0+$0x0], $0xffff;
	v15 =	vadd.f32 v15, v3;
	v23 =	vadd.f32 v29, v59  }
0x8f: {  	v62 =	vmul.f32 v28, v7;
	v16 =	vadd.f32 v30, v16;
	v10 =	vld [tilespmem:s10+$0xFFFFFFE0];
	v17 =	vadd.f32 v17, v18  }
0x90: {  	v18 =	vmul.f32 v21, v7;
	s10 =	simm.s32 $0xC740;
	v22 =	vld.idx.msk [tilespmem:v4+s31+$0x0], $0xffff;
	v15 =	vmax.f32 v15, $0.0e+00;
	v23 =	vadd.f32 v31, v23  }
0x91: {  	v19 =	vld.idx.msk [tilespmem:v19+s0+$0x0], $0xffff;
	v12 =	vadd.f32 v12, v16;
	v14 =	vadd.f32 v14, v62;
	[tilespmem:s10+$0x20] =	vst v15  }
0x92: {  	[tilespmem:v11+s4+$0x0] =	vst.idx.add.f32.msk $0xffff, v15;
	v15 =	vadd.f32 v61, v18;
	v16 =	vadd.f32 v23, v3  }
0x93: {  	v60 =	vmul.f32 v27, v7;
	v13 =	vld.idx.msk [tilespmem:v24+s0+$0x0], $0xffff;
	v17 =	vadd.f32 v17, v3;
	v14 =	vadd.f32 v20, v14  }
0x94: {  	[tilespmem:v11+s5+$0x0] =	vst.idx.add.f32.msk $0xffff, v1;
	v11 =	vadd.f32 v12, v3;
	v20 =	vadd.f32 v63, v15;
	v18 =	vmax.f32 v16, $0.0e+00  }
0x95: {  	v22 =	vadd.f32 v22, v60;
	v14 =	vadd.f32 v14, v3;
	v16 =	vld [tilespmem:s11+$0xFFFFFFE0];
	[tilespmem:s10+$0x0] =	vst v18  }
0x96: {  	s12 =	simm.s32 $0x0;
	v11 =	vmax.f32 v11, $0.0e+00;
	[tilespmem:v6+s4+$0x0] =	vst.idx.add.f32.msk $0xffff, v18;
	v18 =	vadd.f32 v20, v3  }
0x97: {  	s13 =	simm.s32 $0xC0;
	s14 =	simm.s32 $0x50C0;
	v12 =	vmax.f32 v17, $0.0e+00;
	v15 =	vadd.f32 v19, v22;
	v17 =	vld.idx.msk [tilespmem:v10+s31+$0x0], $0xffff;
	v14 =	vmax.f32 v14, $0.0e+00;
	[tilespmem:s10+$0xFFFFFFC0] =	vst v11;
	s11 =	simm.s32 $0xC740  }
.LBB2_16:
0x98: {  	s12 =	sadd.s32 $0x80, s12;
	[tilespmem:v8+s4+$0x0] =	vst.idx.add.f32.msk $0xffff, v11;
	v18 =	vmax.f32 v18, $0.0e+00;
	s9 =	sadd.s32 $0x80, s9;
	s10 =	sadd.s32 $0x80, s10  }
0x99: {  	v19 =	vld [tilespmem:s9+$0x20];
	p1 =	slt.u32 s12, $0x980;
	[tilespmem:s11+$0x10] =	vst v12  }
0x9a: {  	v20 =	vld [tilespmem:s9+$0x0];
	[tilespmem:s11+$0x30] =	vst v18  }
0x9b: {  	v16 =	vmul.f32 v16, v7;
	v11 =	vld [tilespmem:s13+$0x20];
	[tilespmem:s11+$0xFFFFFFD0] =	vst v14  }
0x9c: {  	[tilespmem:v5+s4+$0x0] =	vst.idx.add.f32.msk $0xffff, v18  }
0x9d: {  	v16 =	vadd.f32 v17, v16;
	v18 =	vld [tilespmem:s9+$0x10]  }
0x9e: {  	v17 =	vld [tilespmem:s13+$0x30]  }
0x9f: {  	v13 =	vadd.f32 v13, v16;
	v21 =	vld [tilespmem:s13+$0xFFFFFFC0]  }
0xa0: {  	v16 =	vld [tilespmem:s9+$0xFFFFFFC0]  }
0xa1: {  	v13 =	vadd.f32 v13, v3;
	v22 =	vld [tilespmem:s9+$0x30]  }
0xa2: {  	[tilespmem:v8+s5+$0x0] =	vst.idx.add.f32.msk $0xffff, v1  }
0xa3: {  	v23 =	vld.idx.msk [tilespmem:v11+s31+$0x0], $0xffff  }
0xa4: {  	v24 =	vld [tilespmem:s13+$0x10];
	v8 =	vmov v21  }
0xa5: {  	v19 =	vld.idx.msk [tilespmem:v19+s0+$0x0], $0xffff  }
0xa6: {  	v21 =	vld [tilespmem:s14+$0xFFFFFFC0]  }
0xa7: {  	v18 =	vld.idx.msk [tilespmem:v18+s0+$0x0], $0xffff  }
0xa8: {  	v25 =	vld [tilespmem:s13+$0x0]  }
0xa9: {  	v26 =	vld [tilespmem:s13+$0xFFFFFFF0]  }
0xaa: {  	v15 =	vadd.f32 v15, v3;
	v27 =	vld [tilespmem:s13+$0xFFFFFFE0]  }
0xab: {  	[tilespmem:v5+s5+$0x0] =	vst.idx.add.f32.msk $0xffff, v1;
	v5 =	vmov v17  }
0xac: {  	v15 =	vmax.f32 v15, $0.0e+00;
	v17 =	vld.idx.msk [tilespmem:v24+s31+$0x0], $0xffff  }
0xad: {  	v28 =	vld [tilespmem:s9+$0xFFFFFFF0];
	[tilespmem:s11+$0xFFFFFFF0] =	vst v15  }
0xae: {  	v29 =	vld [tilespmem:s9+$0xFFFFFFD0]  }
0xaf: {  	v13 =	vmax.f32 v13, $0.0e+00;
	[tilespmem:v9+s4+$0x0] =	vst.idx.add.f32.msk $0xffff, v14  }
0xb0: {  	v14 =	vld [tilespmem:s14+$0x30];
	[tilespmem:s11+$0xFFFFFFE0] =	vst v13;
	s11 =	smov.u32 s10  }
0xb1: {  	v30 =	vld.idx.msk [tilespmem:v26+s31+$0x0], $0xffff  }
0xb2: {  	v31 =	vld [tilespmem:s14+$0x20]  }
0xb3: {  	v32 =	vld [tilespmem:s9+$0xFFFFFFE0]  }
0xb4: {  	v33 =	vld [tilespmem:s14+$0x10]  }
0xb5: {  	v34 =	vld [tilespmem:s14+$0x0]  }
0xb6: {  	v35 =	vld [tilespmem:s14+$0xFFFFFFF0]  }
0xb7: {  	v29 =	vld.idx.msk [tilespmem:v29+s0+$0x0], $0xffff  }
0xb8: {  	v36 =	vld [tilespmem:s14+$0xFFFFFFD0]  }
0xb9: {  	[tilespmem:v2+s4+$0x0] =	vst.idx.add.f32.msk $0xffff, v12  }
0xba: {  	v12 =	vld [tilespmem:s13+$0xFFFFFFD0]  }
0xbb: {  	[tilespmem:v4+s4+$0x0] =	vst.idx.add.f32.msk $0xffff, v15  }
0xbc: {  	[tilespmem:v10+s4+$0x0] =	vst.idx.add.f32.msk $0xffff, v13  }
0xbd: {  	[tilespmem:v2+s5+$0x0] =	vst.idx.add.f32.msk $0xffff, v1;
	v2 =	vmov v24  }
0xbe: {  	[tilespmem:v4+s5+$0x0] =	vst.idx.add.f32.msk $0xffff, v1;
	v4 =	vmov v26  }
0xbf: {  	v15 =	vmul.f32 v21, v7;
	v21 =	vld.idx.msk [tilespmem:v25+s31+$0x0], $0xffff  }
0xc0: {  	v14 =	vmul.f32 v14, v7;
	[tilespmem:v6+s5+$0x0] =	vst.idx.add.f32.msk $0xffff, v1;
	v6 =	vmov v25  }
0xc1: {  	[tilespmem:v9+s5+$0x0] =	vst.idx.add.f32.msk $0xffff, v1;
	v9 =	vmov v12  }
0xc2: {  	[tilespmem:v10+s5+$0x0] =	vst.idx.add.f32.msk $0xffff, v1;
	v10 =	vmov v27  }
0xc3: {  	v12 =	vld.idx.msk [tilespmem:v12+s31+$0x0], $0xffff  }
0xc4: {  	v13 =	vmul.f32 v31, v7;
	v16 =	vld.idx.msk [tilespmem:v16+s0+$0x0], $0xffff  }
0xc5: {  	v25 =	vmul.f32 v33, v7;
	v24 =	vld.idx.msk [tilespmem:v8+s31+$0x0], $0xffff  }
0xc6: {  	v26 =	vmul.f32 v34, v7;
	v23 =	vadd.f32 v23, v13;
	v20 =	vld.idx.msk [tilespmem:v20+s0+$0x0], $0xffff  }
0xc7: {  	v27 =	vmul.f32 v35, v7;
	v17 =	vadd.f32 v17, v25;
	v25 =	vld.idx.msk [tilespmem:v5+s31+$0x0], $0xffff  }
0xc8: {  	v31 =	vmul.f32 v36, v7;
	v19 =	vadd.f32 v19, v23;
	v21 =	vadd.f32 v21, v26;
	v13 =	vld.idx.msk [tilespmem:v32+s0+$0x0], $0xffff  }
0xc9: {  	v17 =	vadd.f32 v18, v17;
	v23 =	vld.idx.msk [tilespmem:v28+s0+$0x0], $0xffff  }
0xca: {  	v19 =	vadd.f32 v19, v3;
	v18 =	vadd.f32 v30, v27;
	v22 =	vld.idx.msk [tilespmem:v22+s0+$0x0], $0xffff  }
0xcb: {  	v12 =	vadd.f32 v12, v31;
	v15 =	vadd.f32 v24, v15  }
0xcc: {  	v19 =	vmax.f32 v19, $0.0e+00;
	v17 =	vadd.f32 v17, v3;
	v20 =	vadd.f32 v20, v21  }
0xcd: {  	v16 =	vadd.f32 v16, v15;
	v15 =	vadd.f32 v29, v12;
	[tilespmem:s10+$0x20] =	vst v19  }
0xce: {  	v12 =	vmax.f32 v17, $0.0e+00;
	v14 =	vadd.f32 v25, v14;
	v20 =	vadd.f32 v20, v3;
	[tilespmem:v11+s4+$0x0] =	vst.idx.add.f32.msk $0xffff, v19  }
.Ltmp4:
0xcf: {  	v17 =	vadd.f32 v15, v3;
	v15 =	vadd.f32 v23, v18;
	[tilespmem:v11+s5+$0x0] =	vst.idx.add.f32.msk $0xffff, v1;
	(pc) =	sbr.rel @p1 .LBB2_16-.Ltmp4, $4  }
0xd0: {  	v11 =	vadd.f32 v16, v3;
	v18 =	vmax.f32 v20, $0.0e+00;
	v19 =	vadd.f32 v22, v14  }
0xd1: {  	v14 =	vmax.f32 v17, $0.0e+00;
	v16 =	vld [tilespmem:s14+$0xFFFFFFE0];
	[tilespmem:s10+$0x0] =	vst v18  }
0xd2: {  	v11 =	vmax.f32 v11, $0.0e+00;
	[tilespmem:v6+s4+$0x0] =	vst.idx.add.f32.msk $0xffff, v18;
	v18 =	vadd.f32 v19, v3  }
0xd3: {  	s13 =	sadd.s32 $0x80, s13;
	s14 =	sadd.s32 $0x80, s14;
	[tilespmem:s10+$0xFFFFFFC0] =	vst v11;
	v17 =	vld.idx.msk [tilespmem:v10+s31+$0x0], $0xffff  }
.Ltmp5:
0xd4: {  	_ = 	snop;
	(pc) =	sbr.rel .LBB2_17-.Ltmp5, $1  }
0xd5: {  	_ =	sdelay $0x3  }
.LBB2_2:
0xd6: {  	s9 =	rddreg [dreg:$0x7]  }
0xd7: {  	[tilespmem:s2], [sflag:$0x1] =	stream.linear.gather [hbm4b:s9+s2], $0xA00, $0x38;
	[tilespmem:$0x14000] =	vst v63  }
0xd8: {  	s11 =	rddreg [dreg:$0x8];
	s10 =	simm.s32 $0x2800  }
0xd9: {  	[tilespmem:s10], [sflag:$0x1] =	stream.linear.gather [hbm4b:s11+s2], $0xA00, $0x38;
	[tilespmem:$0x14000] =	vst v63  }
0xda: {  	s12 =	rddreg [dreg:$0x9];
	s13 =	simm.s32 $0x5000;
	s14 =	simm.s32 $0xEF20  }
0xdb: {  	[tilespmem:s13], [sflag:$0x1] =	stream.linear.gather [hbm4b:s12+s2], $0xA00, $0x38;
	[tilespmem:$0x14000] =	vst v63  }
0xdc: {  	[tilespmem:s14+$0xFFFFFFF0] =	vst v0  }
0xdd: {  	[tilespmem:s14+$0x0] =	vst v0  }
0xde: {  	[tilespmem:s14+$0x10] =	vst v0  }
0xdf: {  	s9 =	simm.s32 $0x11720;
	[tilespmem:s14+$0xFFFFFFE0] =	vst v0  }
0xe0: {  	[tilespmem:s9+$0xFFFFFFF0] =	vst v0  }
0xe1: {  	[tilespmem:s9+$0x0] =	vst v0  }
0xe2: {  	[tilespmem:s9+$0x10] =	vst v0  }
0xe3: {  	s10 =	simm.s32 $0x0;
	s11 =	simm.s32 $0xEF60;
	[tilespmem:s9+$0xFFFFFFE0] =	vst v0  }
.LBB2_3:
0xe4: {  	[tilespmem:s11+$0xFFFFFFF0] =	vst v0;
	s9 =	sadd.s32 $0x40, s9  }
0xe5: {  	s10 =	sadd.s32 $0x40, s10;
	[tilespmem:s9+$0xFFFFFFF0] =	vst v0  }
0xe6: {  	p1 =	slt.u32 s10, $0x27C0;
	[tilespmem:s11+$0x0] =	vst v0  }
.Ltmp6:
0xe7: {  	[tilespmem:s9+$0x0] =	vst v0;
	(pc) =	sbr.rel @p1 .LBB2_3-.Ltmp6, $4  }
0xe8: {  	[tilespmem:s11+$0x10] =	vst v0  }
0xe9: {  	[tilespmem:s9+$0x10] =	vst v0  }
0xea: {  	[tilespmem:s11+$0xFFFFFFE0] =	vst v0  }
0xeb: {  	s11 =	sadd.s32 $0x40, s11;
	[tilespmem:s9+$0xFFFFFFE0] =	vst v0  }
0xec: {  	_ =	swait.ge [sflag:s1], $0xA00  }
0xed: {  	[sflag:s1] =	ssyncset.done $0x0  }
0xee: {  	[sflag:s1] =	ssyncadd.s32 $0xFFFFF600  }
0xef: {  	_ =	swait.ge [sflag:s1], $0xA00  }
0xf0: {  	[sflag:s1] =	ssyncset.done $0x0  }
0xf1: {  	[sflag:s1] =	ssyncadd.s32 $0xFFFFF600  }
0xf2: {  	_ =	swait.ge [sflag:s1], $0xA00  }
0xf3: {  	[sflag:s1] =	ssyncset.done $0x0  }
0xf4: {  	[sflag:s1] =	ssyncadd.s32 $0xFFFFF600  }
0xf5: {  	_ =	swait.ge [sflag:s1], $0x2780  }
0xf6: {  	[sflag:s1] =	ssyncset.done $0x0  }
0xf7: {  	[sflag:s1] =	ssyncadd.s32 $0xFFFFD880  }
0xf8: {  	_ =	swait.ge [sflag:s1], $0x2780  }
0xf9: {  	[sflag:s1] =	ssyncset.done $0x0  }
0xfa: {  	[sflag:s1] =	ssyncadd.s32 $0xFFFFD880  }
0xfb: {  	_ =	swait.ge [sflag:s1], $0x100  }
0xfc: {  	[sflag:s1] =	ssyncset.done $0x0  }
0xfd: {  	[sflag:s1] =	ssyncadd.s32 $0xFFFFFF00  }
0xfe: {  	s10 =	simm.s32 $0xA00;
	s9 =	rddreg [dreg:$0xa];
	v3 =	vld [tilespmem:$0x13F00]  }
0xff: {  	v2 =	vld [tilespmem:$0x13F80];
	[tilespmem:s10], [sflag:$0x1] =	stream.linear.gather [hbm4b:s9+s2], $0xA00, $0x38  }
0x100: {  	s11 =	simm.s32 $0x3200;
	s10 =	rddreg [dreg:$0xb]  }
0x101: {  	[tilespmem:s11], [sflag:$0x1] =	stream.linear.gather [hbm4b:s10+s2], $0xA00, $0x38;
	[tilespmem:$0x14000] =	vst v63  }
0x102: {  	s13 =	simm.s32 $0x5A00;
	s12 =	rddreg [dreg:$0xc];
	s9 =	simm.s32 $0x2840  }
0x103: {  	[tilespmem:s13], [sflag:$0x1] =	stream.linear.gather [hbm4b:s12+s2], $0xA00, $0x38;
	[tilespmem:$0x14000] =	vst v63  }
0x104: {  	s14 =	simm.s32 $0x40;
	v5 =	vld [tilespmem:s9+$0x20]  }
0x105: {  	v11 =	vld [tilespmem:s14+$0x20]  }
0x106: {  	v10 =	vld [tilespmem:s9+$0x0]  }
0x107: {  	v7 =	vld [tilespmem:s9+$0x10]  }
0x108: {  	v6 =	vld [tilespmem:s14+$0x30]  }
0x109: {  	v8 =	vld [tilespmem:s14+$0xFFFFFFC0]  }
0x10a: {  	v12 =	vld [tilespmem:s9+$0xFFFFFFC0]  }
0x10b: {  	v4 =	vld [tilespmem:s14+$0x10]  }
0x10c: {  	s11 =	simm.s32 $0x5040;
	v13 =	vld [tilespmem:s9+$0x30]  }
0x10d: {  	v16 =	vld [tilespmem:s11+$0xFFFFFFC0]  }
0x10e: {  	v19 =	vld [tilespmem:s9+$0xFFFFFFF0]  }
0x10f: {  	v20 =	vld [tilespmem:s9+$0xFFFFFFD0]  }
0x110: {  	v21 =	vld [tilespmem:s11+$0x30]  }
0x111: {  	v23 =	vld [tilespmem:s11+$0x20]  }
0x112: {  	v24 =	vld [tilespmem:s9+$0xFFFFFFE0]  }
0x113: {  	v25 =	vld [tilespmem:s11+$0x10]  }
0x114: {  	v9 =	vld [tilespmem:s14+$0xFFFFFFD0]  }
0x115: {  	v26 =	vld [tilespmem:s11+$0x0]  }
0x116: {  	v27 =	vld [tilespmem:s11+$0xFFFFFFF0]  }
0x117: {  	v17 =	vld.idx.msk [tilespmem:v7+s0+$0x0], $0xffff  }
0x118: {  	v7 =	vld [tilespmem:s14+$0x0]  }
0x119: {  	v28 =	vld [tilespmem:s11+$0xFFFFFFD0]  }
0x11a: {  	v14 =	vld.idx.msk [tilespmem:v11+s31+$0x0], $0xffff  }
0x11b: {  	v15 =	vld.idx.msk [tilespmem:v5+s0+$0x0], $0xffff  }
0x11c: {  	v5 =	vld [tilespmem:s14+$0xFFFFFFF0]  }
0x11d: {  	v18 =	vld.idx.msk [tilespmem:v4+s31+$0x0], $0xffff  }
0x11e: {  	v20 =	vld.idx.msk [tilespmem:v20+s0+$0x0], $0xffff  }
0x11f: {  	v23 =	vmul.f32 v23, v3;
	v30 =	vld.idx.msk [tilespmem:v8+s31+$0x0], $0xffff  }
0x120: {  	v29 =	vld.idx.msk [tilespmem:v7+s31+$0x0], $0xffff  }
0x121: {  	v31 =	vld.idx.msk [tilespmem:v10+s0+$0x0], $0xffff;
	v10 =	vadd.f32 v14, v23  }
0x122: {  	v25 =	vmul.f32 v25, v3;
	v12 =	vld.idx.msk [tilespmem:v12+s0+$0x0], $0xffff  }
0x123: {  	v59 =	vmul.f32 v26, v3;
	v14 =	vld.idx.msk [tilespmem:v9+s31+$0x0], $0xffff;
	v15 =	vadd.f32 v15, v10  }
0x124: {  	v16 =	vmul.f32 v16, v3;
	v61 =	vld.idx.msk [tilespmem:v6+s31+$0x0], $0xffff;
	v18 =	vadd.f32 v18, v25  }
0x125: {  	v63 =	vld.idx.msk [tilespmem:v13+s0+$0x0], $0xffff;
	v15 =	vadd.f32 v15, v2;
	v23 =	vadd.f32 v29, v59  }
0x126: {  	v62 =	vmul.f32 v28, v3;
	v16 =	vadd.f32 v30, v16;
	v10 =	vld [tilespmem:s14+$0xFFFFFFE0];
	v17 =	vadd.f32 v17, v18  }
0x127: {  	s10 =	simm.s32 $0xC740;
	v18 =	vmul.f32 v21, v3;
	v22 =	vld.idx.msk [tilespmem:v5+s31+$0x0], $0xffff;
	v15 =	vmax.f32 v15, $0.0e+00;
	v23 =	vadd.f32 v31, v23  }
0x128: {  	v19 =	vld.idx.msk [tilespmem:v19+s0+$0x0], $0xffff;
	v12 =	vadd.f32 v12, v16;
	v14 =	vadd.f32 v14, v62;
	[tilespmem:s10+$0x20] =	vst v15  }
0x129: {  	[tilespmem:v11+s4+$0x0] =	vst.idx.add.f32.msk $0xffff, v15;
	v15 =	vadd.f32 v61, v18;
	v16 =	vadd.f32 v23, v2  }
0x12a: {  	v60 =	vmul.f32 v27, v3;
	v13 =	vld.idx.msk [tilespmem:v24+s0+$0x0], $0xffff;
	v17 =	vadd.f32 v17, v2;
	v14 =	vadd.f32 v20, v14  }
0x12b: {  	[tilespmem:v11+s5+$0x0] =	vst.idx.add.f32.msk $0xffff, v1;
	v11 =	vadd.f32 v12, v2;
	v20 =	vadd.f32 v63, v15;
	v18 =	vmax.f32 v16, $0.0e+00  }
0x12c: {  	v22 =	vadd.f32 v22, v60;
	v14 =	vadd.f32 v14, v2;
	v16 =	vld [tilespmem:s11+$0xFFFFFFE0];
	[tilespmem:s10+$0x0] =	vst v18  }
0x12d: {  	s12 =	simm.s32 $0x0;
	v11 =	vmax.f32 v11, $0.0e+00;
	[tilespmem:v7+s4+$0x0] =	vst.idx.add.f32.msk $0xffff, v18;
	v18 =	vadd.f32 v20, v2  }
0x12e: {  	s13 =	simm.s32 $0xC0;
	s14 =	simm.s32 $0x50C0;
	v12 =	vmax.f32 v17, $0.0e+00;
	v15 =	vadd.f32 v19, v22;
	v17 =	vld.idx.msk [tilespmem:v10+s31+$0x0], $0xffff;
	v14 =	vmax.f32 v14, $0.0e+00;
	[tilespmem:s10+$0xFFFFFFC0] =	vst v11;
	s11 =	simm.s32 $0xC740  }
.LBB2_5:
0x12f: {  	s12 =	sadd.s32 $0x80, s12;
	[tilespmem:v8+s4+$0x0] =	vst.idx.add.f32.msk $0xffff, v11;
	v18 =	vmax.f32 v18, $0.0e+00;
	s9 =	sadd.s32 $0x80, s9;
	s10 =	sadd.s32 $0x80, s10  }
0x130: {  	v19 =	vld [tilespmem:s9+$0x20];
	p1 =	slt.u32 s12, $0x980;
	[tilespmem:s11+$0x10] =	vst v12  }
0x131: {  	v20 =	vld [tilespmem:s9+$0x0];
	[tilespmem:s11+$0x30] =	vst v18  }
0x132: {  	v16 =	vmul.f32 v16, v3;
	v11 =	vld [tilespmem:s13+$0x20];
	[tilespmem:s11+$0xFFFFFFD0] =	vst v14  }
0x133: {  	[tilespmem:v6+s4+$0x0] =	vst.idx.add.f32.msk $0xffff, v18  }
0x134: {  	v16 =	vadd.f32 v17, v16;
	v18 =	vld [tilespmem:s9+$0x10]  }
0x135: {  	v17 =	vld [tilespmem:s13+$0x30]  }
0x136: {  	v13 =	vadd.f32 v13, v16;
	v21 =	vld [tilespmem:s13+$0xFFFFFFC0]  }
0x137: {  	v16 =	vld [tilespmem:s9+$0xFFFFFFC0]  }
0x138: {  	v13 =	vadd.f32 v13, v2;
	v22 =	vld [tilespmem:s9+$0x30]  }
0x139: {  	[tilespmem:v8+s5+$0x0] =	vst.idx.add.f32.msk $0xffff, v1  }
0x13a: {  	v23 =	vld.idx.msk [tilespmem:v11+s31+$0x0], $0xffff  }
0x13b: {  	v24 =	vld [tilespmem:s13+$0x10];
	v8 =	vmov v21  }
0x13c: {  	v19 =	vld.idx.msk [tilespmem:v19+s0+$0x0], $0xffff  }
0x13d: {  	v21 =	vld [tilespmem:s14+$0xFFFFFFC0]  }
0x13e: {  	v18 =	vld.idx.msk [tilespmem:v18+s0+$0x0], $0xffff  }
0x13f: {  	v25 =	vld [tilespmem:s13+$0x0]  }
0x140: {  	v26 =	vld [tilespmem:s13+$0xFFFFFFF0]  }
0x141: {  	v15 =	vadd.f32 v15, v2;
	v27 =	vld [tilespmem:s13+$0xFFFFFFE0]  }
0x142: {  	[tilespmem:v6+s5+$0x0] =	vst.idx.add.f32.msk $0xffff, v1;
	v6 =	vmov v17  }
0x143: {  	v15 =	vmax.f32 v15, $0.0e+00;
	v17 =	vld.idx.msk [tilespmem:v24+s31+$0x0], $0xffff  }
0x144: {  	v28 =	vld [tilespmem:s9+$0xFFFFFFF0];
	[tilespmem:s11+$0xFFFFFFF0] =	vst v15  }
0x145: {  	v29 =	vld [tilespmem:s9+$0xFFFFFFD0]  }
0x146: {  	v13 =	vmax.f32 v13, $0.0e+00;
	[tilespmem:v9+s4+$0x0] =	vst.idx.add.f32.msk $0xffff, v14  }
0x147: {  	v14 =	vld [tilespmem:s14+$0x30];
	[tilespmem:s11+$0xFFFFFFE0] =	vst v13;
	s11 =	smov.u32 s10  }
0x148: {  	v30 =	vld.idx.msk [tilespmem:v26+s31+$0x0], $0xffff  }
0x149: {  	v31 =	vld [tilespmem:s14+$0x20]  }
0x14a: {  	v32 =	vld [tilespmem:s9+$0xFFFFFFE0]  }
0x14b: {  	v33 =	vld [tilespmem:s14+$0x10]  }
0x14c: {  	v34 =	vld [tilespmem:s14+$0x0]  }
0x14d: {  	v35 =	vld [tilespmem:s14+$0xFFFFFFF0]  }
0x14e: {  	v29 =	vld.idx.msk [tilespmem:v29+s0+$0x0], $0xffff  }
0x14f: {  	v36 =	vld [tilespmem:s14+$0xFFFFFFD0]  }
0x150: {  	[tilespmem:v4+s4+$0x0] =	vst.idx.add.f32.msk $0xffff, v12  }
0x151: {  	v12 =	vld [tilespmem:s13+$0xFFFFFFD0]  }
0x152: {  	[tilespmem:v5+s4+$0x0] =	vst.idx.add.f32.msk $0xffff, v15  }
0x153: {  	[tilespmem:v10+s4+$0x0] =	vst.idx.add.f32.msk $0xffff, v13  }
0x154: {  	[tilespmem:v4+s5+$0x0] =	vst.idx.add.f32.msk $0xffff, v1;
	v4 =	vmov v24  }
0x155: {  	[tilespmem:v5+s5+$0x0] =	vst.idx.add.f32.msk $0xffff, v1;
	v5 =	vmov v26  }
0x156: {  	v15 =	vmul.f32 v21, v3;
	v21 =	vld.idx.msk [tilespmem:v25+s31+$0x0], $0xffff  }
0x157: {  	v14 =	vmul.f32 v14, v3;
	[tilespmem:v7+s5+$0x0] =	vst.idx.add.f32.msk $0xffff, v1;
	v7 =	vmov v25  }
0x158: {  	[tilespmem:v9+s5+$0x0] =	vst.idx.add.f32.msk $0xffff, v1;
	v9 =	vmov v12  }
0x159: {  	[tilespmem:v10+s5+$0x0] =	vst.idx.add.f32.msk $0xffff, v1;
	v10 =	vmov v27  }
0x15a: {  	v12 =	vld.idx.msk [tilespmem:v12+s31+$0x0], $0xffff  }
0x15b: {  	v13 =	vmul.f32 v31, v3;
	v16 =	vld.idx.msk [tilespmem:v16+s0+$0x0], $0xffff  }
0x15c: {  	v25 =	vmul.f32 v33, v3;
	v24 =	vld.idx.msk [tilespmem:v8+s31+$0x0], $0xffff  }
0x15d: {  	v26 =	vmul.f32 v34, v3;
	v23 =	vadd.f32 v23, v13;
	v20 =	vld.idx.msk [tilespmem:v20+s0+$0x0], $0xffff  }
0x15e: {  	v27 =	vmul.f32 v35, v3;
	v17 =	vadd.f32 v17, v25;
	v25 =	vld.idx.msk [tilespmem:v6+s31+$0x0], $0xffff  }
0x15f: {  	v31 =	vmul.f32 v36, v3;
	v19 =	vadd.f32 v19, v23;
	v21 =	vadd.f32 v21, v26;
	v13 =	vld.idx.msk [tilespmem:v32+s0+$0x0], $0xffff  }
0x160: {  	v17 =	vadd.f32 v18, v17;
	v23 =	vld.idx.msk [tilespmem:v28+s0+$0x0], $0xffff  }
0x161: {  	v19 =	vadd.f32 v19, v2;
	v18 =	vadd.f32 v30, v27;
	v22 =	vld.idx.msk [tilespmem:v22+s0+$0x0], $0xffff  }
0x162: {  	v12 =	vadd.f32 v12, v31;
	v15 =	vadd.f32 v24, v15  }
0x163: {  	v19 =	vmax.f32 v19, $0.0e+00;
	v17 =	vadd.f32 v17, v2;
	v20 =	vadd.f32 v20, v21  }
0x164: {  	v16 =	vadd.f32 v16, v15;
	v15 =	vadd.f32 v29, v12;
	[tilespmem:s10+$0x20] =	vst v19  }
0x165: {  	v12 =	vmax.f32 v17, $0.0e+00;
	v14 =	vadd.f32 v25, v14;
	v20 =	vadd.f32 v20, v2;
	[tilespmem:v11+s4+$0x0] =	vst.idx.add.f32.msk $0xffff, v19  }
.Ltmp7:
0x166: {  	v17 =	vadd.f32 v15, v2;
	v15 =	vadd.f32 v23, v18;
	[tilespmem:v11+s5+$0x0] =	vst.idx.add.f32.msk $0xffff, v1;
	(pc) =	sbr.rel @p1 .LBB2_5-.Ltmp7, $4  }
0x167: {  	v11 =	vadd.f32 v16, v2;
	v18 =	vmax.f32 v20, $0.0e+00;
	v19 =	vadd.f32 v22, v14  }
0x168: {  	v14 =	vmax.f32 v17, $0.0e+00;
	v16 =	vld [tilespmem:s14+$0xFFFFFFE0];
	[tilespmem:s10+$0x0] =	vst v18  }
0x169: {  	v11 =	vmax.f32 v11, $0.0e+00;
	[tilespmem:v7+s4+$0x0] =	vst.idx.add.f32.msk $0xffff, v18;
	v18 =	vadd.f32 v19, v2  }
0x16a: {  	s13 =	sadd.s32 $0x80, s13;
	s14 =	sadd.s32 $0x80, s14;
	[tilespmem:s10+$0xFFFFFFC0] =	vst v11;
	v17 =	vld.idx.msk [tilespmem:v10+s31+$0x0], $0xffff  }
0x16b: {  	_ =	sdelay $0x3  }
0x16c: {  	[tilespmem:v8+s4+$0x0] =	vst.idx.add.f32.msk $0xffff, v11  }
0x16d: {  	[tilespmem:s11+$0x10] =	vst v12  }
0x16e: {  	[tilespmem:s11+$0xFFFFFFD0] =	vst v14  }
0x16f: {  	[tilespmem:v7+s5+$0x0] =	vst.idx.add.f32.msk $0xffff, v1  }
0x170: {  	[tilespmem:v8+s5+$0x0] =	vst.idx.add.f32.msk $0xffff, v1  }
0x171: {  	[tilespmem:v9+s4+$0x0] =	vst.idx.add.f32.msk $0xffff, v14;
	v11 =	vmul.f32 v16, v3  }
0x172: {  	[tilespmem:v4+s4+$0x0] =	vst.idx.add.f32.msk $0xffff, v12  }
0x173: {  	[tilespmem:v4+s5+$0x0] =	vst.idx.add.f32.msk $0xffff, v1;
	v11 =	vadd.f32 v17, v11  }
0x174: {  	v16 =	vmax.f32 v18, $0.0e+00;
	[tilespmem:v9+s5+$0x0] =	vst.idx.add.f32.msk $0xffff, v1  }
0x175: {  	[tilespmem:s11+$0x30] =	vst v16;
	v11 =	vadd.f32 v13, v11;
	v13 =	vadd.f32 v15, v2  }
0x176: {  	[tilespmem:v6+s4+$0x0] =	vst.idx.add.f32.msk $0xffff, v16  }
0x177: {  	[tilespmem:v6+s5+$0x0] =	vst.idx.add.f32.msk $0xffff, v1;
	v8 =	vadd.f32 v11, v2;
	v6 =	vmax.f32 v13, $0.0e+00  }
0x178: {  	[tilespmem:s11+$0xFFFFFFF0] =	vst v6  }
0x179: {  	v8 =	vmax.f32 v8, $0.0e+00;
	[tilespmem:v5+s4+$0x0] =	vst.idx.add.f32.msk $0xffff, v6  }
0x17a: {  	[tilespmem:s11+$0xFFFFFFE0] =	vst v8  }
0x17b: {  	[tilespmem:v5+s5+$0x0] =	vst.idx.add.f32.msk $0xffff, v1  }
0x17c: {  	[tilespmem:v10+s4+$0x0] =	vst.idx.add.f32.msk $0xffff, v8  }
0x17d: {  	[tilespmem:v10+s5+$0x0] =	vst.idx.add.f32.msk $0xffff, v1  }
0x17e: {  	_ =	swait.ge [sflag:s1], $0xA00  }
0x17f: {  	[sflag:s1] =	ssyncset.done $0x0  }
0x180: {  	[sflag:s1] =	ssyncadd.s32 $0xFFFFF600  }
0x181: {  	_ =	swait.ge [sflag:s1], $0xA00  }
0x182: {  	[sflag:s1] =	ssyncset.done $0x0  }
0x183: {  	[sflag:s1] =	ssyncadd.s32 $0xFFFFF600  }
0x184: {  	_ =	swait.ge [sflag:s1], $0xA00  }
0x185: {  	[sflag:s1] =	ssyncset.done $0x0  }
0x186: {  	s10 =	simm.s32 $0x1400;
	s9 =	rddreg [dreg:$0xd];
	[sflag:s1] =	ssyncadd.s32 $0xFFFFF600  }
0x187: {  	[tilespmem:s10], [sflag:$0x1] =	stream.linear.gather [hbm4b:s9+s2], $0xA00, $0x38;
	[tilespmem:$0x14000] =	vst v63  }
0x188: {  	s14 =	simm.s32 $0x3C00;
	s13 =	rddreg [dreg:$0xe]  }
0x189: {  	[tilespmem:s14], [sflag:$0x1] =	stream.linear.gather [hbm4b:s13+s2], $0xA00, $0x38;
	[tilespmem:$0x14000] =	vst v63  }
0x18a: {  	s12 =	simm.s32 $0x6400;
	s11 =	rddreg [dreg:$0xf];
	s9 =	simm.s32 $0x3270  }
0x18b: {  	[tilespmem:s12], [sflag:$0x1] =	stream.linear.gather [hbm4b:s11+s2], $0xA00, $0x38;
	[tilespmem:$0x14000] =	vst v63  }
0x18c: {  	s13 =	simm.s32 $0xA70;
	v5 =	vld [tilespmem:s9+$0xFFFFFFF0]  }
0x18d: {  	v11 =	vld [tilespmem:s13+$0xFFFFFFF0]  }
0x18e: {  	v10 =	vld [tilespmem:s9+$0xFFFFFFD0]  }
0x18f: {  	v7 =	vld [tilespmem:s9+$0xFFFFFFE0]  }
0x190: {  	v6 =	vld [tilespmem:s13+$0x0]  }
0x191: {  	v8 =	vld [tilespmem:s13+$0xFFFFFF90]  }
0x192: {  	v12 =	vld [tilespmem:s9+$0xFFFFFF90]  }
0x193: {  	v4 =	vld [tilespmem:s13+$0xFFFFFFE0]  }
0x194: {  	s14 =	simm.s32 $0x5A70;
	v13 =	vld [tilespmem:s9+$0x0]  }
0x195: {  	v16 =	vld [tilespmem:s14+$0xFFFFFF90]  }
0x196: {  	v19 =	vld [tilespmem:s9+$0xFFFFFFC0]  }
0x197: {  	v20 =	vld [tilespmem:s9+$0xFFFFFFA0]  }
0x198: {  	v21 =	vld [tilespmem:s14+$0x0]  }
0x199: {  	v23 =	vld [tilespmem:s14+$0xFFFFFFF0]  }
0x19a: {  	v24 =	vld [tilespmem:s9+$0xFFFFFFB0]  }
0x19b: {  	v25 =	vld [tilespmem:s14+$0xFFFFFFE0]  }
0x19c: {  	v9 =	vld [tilespmem:s13+$0xFFFFFFA0]  }
0x19d: {  	v26 =	vld [tilespmem:s14+$0xFFFFFFD0]  }
0x19e: {  	v27 =	vld [tilespmem:s14+$0xFFFFFFC0]  }
0x19f: {  	v17 =	vld.idx.msk [tilespmem:v7+s0+$0x0], $0xffff  }
0x1a0: {  	v7 =	vld [tilespmem:s13+$0xFFFFFFD0]  }
0x1a1: {  	v28 =	vld [tilespmem:s14+$0xFFFFFFA0]  }
0x1a2: {  	v14 =	vld.idx.msk [tilespmem:v11+s31+$0x0], $0xffff  }
0x1a3: {  	v15 =	vld.idx.msk [tilespmem:v5+s0+$0x0], $0xffff  }
0x1a4: {  	v5 =	vld [tilespmem:s13+$0xFFFFFFC0]  }
0x1a5: {  	v18 =	vld.idx.msk [tilespmem:v4+s31+$0x0], $0xffff  }
0x1a6: {  	v20 =	vld.idx.msk [tilespmem:v20+s0+$0x0], $0xffff  }
0x1a7: {  	v23 =	vmul.f32 v23, v3;
	v30 =	vld.idx.msk [tilespmem:v8+s31+$0x0], $0xffff  }
0x1a8: {  	v29 =	vld.idx.msk [tilespmem:v7+s31+$0x0], $0xffff  }
0x1a9: {  	v31 =	vld.idx.msk [tilespmem:v10+s0+$0x0], $0xffff;
	v10 =	vadd.f32 v14, v23  }
0x1aa: {  	v25 =	vmul.f32 v25, v3;
	v12 =	vld.idx.msk [tilespmem:v12+s0+$0x0], $0xffff  }
0x1ab: {  	v59 =	vmul.f32 v26, v3;
	v14 =	vld.idx.msk [tilespmem:v9+s31+$0x0], $0xffff;
	v15 =	vadd.f32 v15, v10  }
0x1ac: {  	v16 =	vmul.f32 v16, v3;
	v61 =	vld.idx.msk [tilespmem:v6+s31+$0x0], $0xffff;
	v18 =	vadd.f32 v18, v25  }
0x1ad: {  	v63 =	vld.idx.msk [tilespmem:v13+s0+$0x0], $0xffff;
	v15 =	vadd.f32 v15, v2;
	v23 =	vadd.f32 v29, v59  }
0x1ae: {  	v62 =	vmul.f32 v28, v3;
	v16 =	vadd.f32 v30, v16;
	v10 =	vld [tilespmem:s13+$0xFFFFFFB0];
	v17 =	vadd.f32 v17, v18  }
0x1af: {  	s10 =	simm.s32 $0xD170;
	v18 =	vmul.f32 v21, v3;
	v22 =	vld.idx.msk [tilespmem:v5+s31+$0x0], $0xffff;
	v15 =	vmax.f32 v15, $0.0e+00;
	v23 =	vadd.f32 v31, v23  }
0x1b0: {  	v19 =	vld.idx.msk [tilespmem:v19+s0+$0x0], $0xffff;
	v12 =	vadd.f32 v12, v16;
	v14 =	vadd.f32 v14, v62;
	[tilespmem:s10+$0xFFFFFFF0] =	vst v15  }
0x1b1: {  	[tilespmem:v11+s4+$0x0] =	vst.idx.add.f32.msk $0xffff, v15;
	v15 =	vadd.f32 v61, v18;
	v16 =	vadd.f32 v23, v2  }
0x1b2: {  	v60 =	vmul.f32 v27, v3;
	v13 =	vld.idx.msk [tilespmem:v24+s0+$0x0], $0xffff;
	v17 =	vadd.f32 v17, v2;
	v14 =	vadd.f32 v20, v14  }
0x1b3: {  	[tilespmem:v11+s5+$0x0] =	vst.idx.add.f32.msk $0xffff, v1;
	v11 =	vadd.f32 v12, v2;
	v20 =	vadd.f32 v63, v15;
	v18 =	vmax.f32 v16, $0.0e+00  }
0x1b4: {  	v22 =	vadd.f32 v22, v60;
	v14 =	vadd.f32 v14, v2;
	v16 =	vld [tilespmem:s14+$0xFFFFFFB0];
	[tilespmem:s10+$0xFFFFFFD0] =	vst v18  }
0x1b5: {  	s12 =	simm.s32 $0xA00;
	v11 =	vmax.f32 v11, $0.0e+00;
	[tilespmem:v7+s4+$0x0] =	vst.idx.add.f32.msk $0xffff, v18;
	v18 =	vadd.f32 v20, v2  }
0x1b6: {  	s11 =	simm.s32 $0xD170;
	s13 =	simm.s32 $0xAF0;
	v12 =	vmax.f32 v17, $0.0e+00;
	v15 =	vadd.f32 v19, v22;
	v17 =	vld.idx.msk [tilespmem:v10+s31+$0x0], $0xffff;
	v14 =	vmax.f32 v14, $0.0e+00;
	[tilespmem:s10+$0xFFFFFF90] =	vst v11;
	s14 =	simm.s32 $0x5AF0  }
.LBB2_7:
0x1b7: {  	s12 =	sadd.s32 $0x80, s12;
	[tilespmem:v8+s4+$0x0] =	vst.idx.add.f32.msk $0xffff, v11;
	v18 =	vmax.f32 v18, $0.0e+00;
	s9 =	sadd.s32 $0x80, s9;
	s10 =	sadd.s32 $0x80, s10  }
0x1b8: {  	v19 =	vld [tilespmem:s9+$0xFFFFFFF0];
	p1 =	slt.u32 s12, $0x1380;
	[tilespmem:s11+$0xFFFFFFE0] =	vst v12  }
0x1b9: {  	v20 =	vld [tilespmem:s9+$0xFFFFFFD0];
	[tilespmem:s11+$0x0] =	vst v18  }
0x1ba: {  	v16 =	vmul.f32 v16, v3;
	v11 =	vld [tilespmem:s13+$0xFFFFFFF0];
	[tilespmem:s11+$0xFFFFFFA0] =	vst v14  }
0x1bb: {  	[tilespmem:v6+s4+$0x0] =	vst.idx.add.f32.msk $0xffff, v18  }
0x1bc: {  	v16 =	vadd.f32 v17, v16;
	v18 =	vld [tilespmem:s9+$0xFFFFFFE0]  }
0x1bd: {  	v17 =	vld [tilespmem:s13+$0x0]  }
0x1be: {  	v13 =	vadd.f32 v13, v16;
	v21 =	vld [tilespmem:s13+$0xFFFFFF90]  }
0x1bf: {  	v16 =	vld [tilespmem:s9+$0xFFFFFF90]  }
0x1c0: {  	v13 =	vadd.f32 v13, v2;
	v22 =	vld [tilespmem:s9+$0x0]  }
0x1c1: {  	[tilespmem:v8+s5+$0x0] =	vst.idx.add.f32.msk $0xffff, v1  }
0x1c2: {  	v23 =	vld.idx.msk [tilespmem:v11+s31+$0x0], $0xffff  }
0x1c3: {  	v24 =	vld [tilespmem:s13+$0xFFFFFFE0];
	v8 =	vmov v21  }
0x1c4: {  	v19 =	vld.idx.msk [tilespmem:v19+s0+$0x0], $0xffff  }
0x1c5: {  	v21 =	vld [tilespmem:s14+$0xFFFFFF90]  }
0x1c6: {  	v18 =	vld.idx.msk [tilespmem:v18+s0+$0x0], $0xffff  }
0x1c7: {  	v25 =	vld [tilespmem:s13+$0xFFFFFFD0]  }
0x1c8: {  	v26 =	vld [tilespmem:s13+$0xFFFFFFC0]  }
0x1c9: {  	v15 =	vadd.f32 v15, v2;
	v27 =	vld [tilespmem:s13+$0xFFFFFFB0]  }
0x1ca: {  	[tilespmem:v6+s5+$0x0] =	vst.idx.add.f32.msk $0xffff, v1;
	v6 =	vmov v17  }
0x1cb: {  	v15 =	vmax.f32 v15, $0.0e+00;
	v17 =	vld.idx.msk [tilespmem:v24+s31+$0x0], $0xffff  }
0x1cc: {  	v28 =	vld [tilespmem:s9+$0xFFFFFFC0];
	[tilespmem:s11+$0xFFFFFFC0] =	vst v15  }
0x1cd: {  	v29 =	vld [tilespmem:s9+$0xFFFFFFA0]  }
0x1ce: {  	v13 =	vmax.f32 v13, $0.0e+00;
	[tilespmem:v9+s4+$0x0] =	vst.idx.add.f32.msk $0xffff, v14  }
0x1cf: {  	v14 =	vld [tilespmem:s14+$0x0];
	[tilespmem:s11+$0xFFFFFFB0] =	vst v13;
	s11 =	smov.u32 s10  }
0x1d0: {  	v30 =	vld.idx.msk [tilespmem:v26+s31+$0x0], $0xffff  }
0x1d1: {  	v31 =	vld [tilespmem:s14+$0xFFFFFFF0]  }
0x1d2: {  	v32 =	vld [tilespmem:s9+$0xFFFFFFB0]  }
0x1d3: {  	v33 =	vld [tilespmem:s14+$0xFFFFFFE0]  }
0x1d4: {  	v34 =	vld [tilespmem:s14+$0xFFFFFFD0]  }
0x1d5: {  	v35 =	vld [tilespmem:s14+$0xFFFFFFC0]  }
0x1d6: {  	v29 =	vld.idx.msk [tilespmem:v29+s0+$0x0], $0xffff  }
0x1d7: {  	v36 =	vld [tilespmem:s14+$0xFFFFFFA0]  }
0x1d8: {  	[tilespmem:v4+s4+$0x0] =	vst.idx.add.f32.msk $0xffff, v12  }
0x1d9: {  	v12 =	vld [tilespmem:s13+$0xFFFFFFA0]  }
0x1da: {  	[tilespmem:v5+s4+$0x0] =	vst.idx.add.f32.msk $0xffff, v15  }
0x1db: {  	[tilespmem:v10+s4+$0x0] =	vst.idx.add.f32.msk $0xffff, v13  }
0x1dc: {  	[tilespmem:v4+s5+$0x0] =	vst.idx.add.f32.msk $0xffff, v1;
	v4 =	vmov v24  }
0x1dd: {  	[tilespmem:v5+s5+$0x0] =	vst.idx.add.f32.msk $0xffff, v1;
	v5 =	vmov v26  }
0x1de: {  	v15 =	vmul.f32 v21, v3;
	v21 =	vld.idx.msk [tilespmem:v25+s31+$0x0], $0xffff  }
0x1df: {  	v14 =	vmul.f32 v14, v3;
	[tilespmem:v7+s5+$0x0] =	vst.idx.add.f32.msk $0xffff, v1;
	v7 =	vmov v25  }
0x1e0: {  	[tilespmem:v9+s5+$0x0] =	vst.idx.add.f32.msk $0xffff, v1;
	v9 =	vmov v12  }
0x1e1: {  	[tilespmem:v10+s5+$0x0] =	vst.idx.add.f32.msk $0xffff, v1;
	v10 =	vmov v27  }
0x1e2: {  	v12 =	vld.idx.msk [tilespmem:v12+s31+$0x0], $0xffff  }
0x1e3: {  	v13 =	vmul.f32 v31, v3;
	v16 =	vld.idx.msk [tilespmem:v16+s0+$0x0], $0xffff  }
0x1e4: {  	v25 =	vmul.f32 v33, v3;
	v24 =	vld.idx.msk [tilespmem:v8+s31+$0x0], $0xffff  }
0x1e5: {  	v26 =	vmul.f32 v34, v3;
	v23 =	vadd.f32 v23, v13;
	v20 =	vld.idx.msk [tilespmem:v20+s0+$0x0], $0xffff  }
0x1e6: {  	v27 =	vmul.f32 v35, v3;
	v17 =	vadd.f32 v17, v25;
	v25 =	vld.idx.msk [tilespmem:v6+s31+$0x0], $0xffff  }
0x1e7: {  	v31 =	vmul.f32 v36, v3;
	v19 =	vadd.f32 v19, v23;
	v21 =	vadd.f32 v21, v26;
	v13 =	vld.idx.msk [tilespmem:v32+s0+$0x0], $0xffff  }
0x1e8: {  	v17 =	vadd.f32 v18, v17;
	v23 =	vld.idx.msk [tilespmem:v28+s0+$0x0], $0xffff  }
0x1e9: {  	v19 =	vadd.f32 v19, v2;
	v18 =	vadd.f32 v30, v27;
	v22 =	vld.idx.msk [tilespmem:v22+s0+$0x0], $0xffff  }
0x1ea: {  	v12 =	vadd.f32 v12, v31;
	v15 =	vadd.f32 v24, v15  }
0x1eb: {  	v19 =	vmax.f32 v19, $0.0e+00;
	v17 =	vadd.f32 v17, v2;
	v20 =	vadd.f32 v20, v21  }
0x1ec: {  	v16 =	vadd.f32 v16, v15;
	v15 =	vadd.f32 v29, v12;
	[tilespmem:s10+$0xFFFFFFF0] =	vst v19  }
0x1ed: {  	v12 =	vmax.f32 v17, $0.0e+00;
	v14 =	vadd.f32 v25, v14;
	v20 =	vadd.f32 v20, v2;
	[tilespmem:v11+s4+$0x0] =	vst.idx.add.f32.msk $0xffff, v19  }
.Ltmp8:
0x1ee: {  	v17 =	vadd.f32 v15, v2;
	v15 =	vadd.f32 v23, v18;
	[tilespmem:v11+s5+$0x0] =	vst.idx.add.f32.msk $0xffff, v1;
	(pc) =	sbr.rel @p1 .LBB2_7-.Ltmp8, $4  }
0x1ef: {  	v11 =	vadd.f32 v16, v2;
	v18 =	vmax.f32 v20, $0.0e+00;
	v19 =	vadd.f32 v22, v14  }
0x1f0: {  	v14 =	vmax.f32 v17, $0.0e+00;
	v16 =	vld [tilespmem:s14+$0xFFFFFFB0];
	[tilespmem:s10+$0xFFFFFFD0] =	vst v18  }
0x1f1: {  	v11 =	vmax.f32 v11, $0.0e+00;
	[tilespmem:v7+s4+$0x0] =	vst.idx.add.f32.msk $0xffff, v18;
	v18 =	vadd.f32 v19, v2  }
0x1f2: {  	s13 =	sadd.s32 $0x80, s13;
	s14 =	sadd.s32 $0x80, s14;
	[tilespmem:s10+$0xFFFFFF90] =	vst v11;
	v17 =	vld.idx.msk [tilespmem:v10+s31+$0x0], $0xffff  }
0x1f3: {  	_ =	sdelay $0x3  }
0x1f4: {  	[tilespmem:v8+s4+$0x0] =	vst.idx.add.f32.msk $0xffff, v11  }
0x1f5: {  	[tilespmem:s11+$0xFFFFFFE0] =	vst v12  }
0x1f6: {  	[tilespmem:s11+$0xFFFFFFA0] =	vst v14  }
0x1f7: {  	[tilespmem:v7+s5+$0x0] =	vst.idx.add.f32.msk $0xffff, v1  }
0x1f8: {  	[tilespmem:v8+s5+$0x0] =	vst.idx.add.f32.msk $0xffff, v1  }
0x1f9: {  	[tilespmem:v9+s4+$0x0] =	vst.idx.add.f32.msk $0xffff, v14;
	v11 =	vmul.f32 v16, v3  }
0x1fa: {  	[tilespmem:v4+s4+$0x0] =	vst.idx.add.f32.msk $0xffff, v12  }
0x1fb: {  	[tilespmem:v4+s5+$0x0] =	vst.idx.add.f32.msk $0xffff, v1;
	v11 =	vadd.f32 v17, v11  }
0x1fc: {  	v16 =	vmax.f32 v18, $0.0e+00;
	[tilespmem:v9+s5+$0x0] =	vst.idx.add.f32.msk $0xffff, v1  }
0x1fd: {  	[tilespmem:s11+$0x0] =	vst v16;
	v11 =	vadd.f32 v13, v11;
	v13 =	vadd.f32 v15, v2  }
0x1fe: {  	[tilespmem:v6+s4+$0x0] =	vst.idx.add.f32.msk $0xffff, v16  }
0x1ff: {  	[tilespmem:v6+s5+$0x0] =	vst.idx.add.f32.msk $0xffff, v1;
	v8 =	vadd.f32 v11, v2;
	v6 =	vmax.f32 v13, $0.0e+00  }
0x200: {  	[tilespmem:s11+$0xFFFFFFC0] =	vst v6  }
0x201: {  	v8 =	vmax.f32 v8, $0.0e+00;
	[tilespmem:v5+s4+$0x0] =	vst.idx.add.f32.msk $0xffff, v6  }
0x202: {  	[tilespmem:s11+$0xFFFFFFB0] =	vst v8  }
0x203: {  	[tilespmem:v5+s5+$0x0] =	vst.idx.add.f32.msk $0xffff, v1  }
0x204: {  	[tilespmem:v10+s4+$0x0] =	vst.idx.add.f32.msk $0xffff, v8  }
0x205: {  	[tilespmem:v10+s5+$0x0] =	vst.idx.add.f32.msk $0xffff, v1  }
0x206: {  	_ =	swait.ge [sflag:s1], $0xA00  }
0x207: {  	[sflag:s1] =	ssyncset.done $0x0  }
0x208: {  	[sflag:s1] =	ssyncadd.s32 $0xFFFFF600  }
0x209: {  	_ =	swait.ge [sflag:s1], $0xA00  }
0x20a: {  	[sflag:s1] =	ssyncset.done $0x0  }
0x20b: {  	[sflag:s1] =	ssyncadd.s32 $0xFFFFF600  }
0x20c: {  	_ =	swait.ge [sflag:s1], $0xA00  }
0x20d: {  	[sflag:s1] =	ssyncset.done $0x0  }
0x20e: {  	s10 =	simm.s32 $0x1E00;
	s9 =	rddreg [dreg:$0x10];
	[sflag:s1] =	ssyncadd.s32 $0xFFFFF600  }
0x20f: {  	[tilespmem:s10], [sflag:$0x1] =	stream.linear.gather [hbm4b:s9+s2], $0xA00, $0x38;
	[tilespmem:$0x14000] =	vst v63  }
0x210: {  	s11 =	simm.s32 $0x4600;
	s10 =	rddreg [dreg:$0x11]  }
0x211: {  	[tilespmem:s11], [sflag:$0x1] =	stream.linear.gather [hbm4b:s10+s2], $0xA00, $0x38;
	[tilespmem:$0x14000] =	vst v63  }
0x212: {  	s12 =	simm.s32 $0x6E00;
	s9 =	simm.s32 $0x3C70  }
0x213: {  	[tilespmem:s12], [sflag:$0x1] =	stream.linear.gather [hbm4b:s15+s2], $0xA00, $0x38;
	[tilespmem:$0x14000] =	vst v63  }
0x214: {  	s13 =	simm.s32 $0x1470;
	v5 =	vld [tilespmem:s9+$0xFFFFFFF0]  }
0x215: {  	v11 =	vld [tilespmem:s13+$0xFFFFFFF0]  }
0x216: {  	v10 =	vld [tilespmem:s9+$0xFFFFFFD0]  }
0x217: {  	v7 =	vld [tilespmem:s9+$0xFFFFFFE0]  }
0x218: {  	v6 =	vld [tilespmem:s13+$0x0]  }
0x219: {  	v8 =	vld [tilespmem:s13+$0xFFFFFF90]  }
0x21a: {  	v12 =	vld [tilespmem:s9+$0xFFFFFF90]  }
0x21b: {  	v4 =	vld [tilespmem:s13+$0xFFFFFFE0]  }
0x21c: {  	s14 =	simm.s32 $0x6470;
	v13 =	vld [tilespmem:s9+$0x0]  }
0x21d: {  	v16 =	vld [tilespmem:s14+$0xFFFFFF90]  }
0x21e: {  	v19 =	vld [tilespmem:s9+$0xFFFFFFC0]  }
0x21f: {  	v20 =	vld [tilespmem:s9+$0xFFFFFFA0]  }
0x220: {  	v21 =	vld [tilespmem:s14+$0x0]  }
0x221: {  	v23 =	vld [tilespmem:s14+$0xFFFFFFF0]  }
0x222: {  	v24 =	vld [tilespmem:s9+$0xFFFFFFB0]  }
0x223: {  	v25 =	vld [tilespmem:s14+$0xFFFFFFE0]  }
0x224: {  	v9 =	vld [tilespmem:s13+$0xFFFFFFA0]  }
0x225: {  	v26 =	vld [tilespmem:s14+$0xFFFFFFD0]  }
0x226: {  	v27 =	vld [tilespmem:s14+$0xFFFFFFC0]  }
0x227: {  	v17 =	vld.idx.msk [tilespmem:v7+s0+$0x0], $0xffff  }
0x228: {  	v7 =	vld [tilespmem:s13+$0xFFFFFFD0]  }
0x229: {  	v28 =	vld [tilespmem:s14+$0xFFFFFFA0]  }
0x22a: {  	v14 =	vld.idx.msk [tilespmem:v11+s31+$0x0], $0xffff  }
0x22b: {  	v15 =	vld.idx.msk [tilespmem:v5+s0+$0x0], $0xffff  }
0x22c: {  	v5 =	vld [tilespmem:s13+$0xFFFFFFC0]  }
0x22d: {  	v18 =	vld.idx.msk [tilespmem:v4+s31+$0x0], $0xffff  }
0x22e: {  	v20 =	vld.idx.msk [tilespmem:v20+s0+$0x0], $0xffff  }
0x22f: {  	v23 =	vmul.f32 v23, v3;
	v30 =	vld.idx.msk [tilespmem:v8+s31+$0x0], $0xffff  }
0x230: {  	v29 =	vld.idx.msk [tilespmem:v7+s31+$0x0], $0xffff  }
0x231: {  	v31 =	vld.idx.msk [tilespmem:v10+s0+$0x0], $0xffff;
	v10 =	vadd.f32 v14, v23  }
0x232: {  	v25 =	vmul.f32 v25, v3;
	v12 =	vld.idx.msk [tilespmem:v12+s0+$0x0], $0xffff  }
0x233: {  	v59 =	vmul.f32 v26, v3;
	v14 =	vld.idx.msk [tilespmem:v9+s31+$0x0], $0xffff;
	v15 =	vadd.f32 v15, v10  }
0x234: {  	v16 =	vmul.f32 v16, v3;
	v61 =	vld.idx.msk [tilespmem:v6+s31+$0x0], $0xffff;
	v18 =	vadd.f32 v18, v25  }
0x235: {  	v63 =	vld.idx.msk [tilespmem:v13+s0+$0x0], $0xffff;
	v15 =	vadd.f32 v15, v2;
	v23 =	vadd.f32 v29, v59  }
0x236: {  	v62 =	vmul.f32 v28, v3;
	v16 =	vadd.f32 v30, v16;
	v10 =	vld [tilespmem:s13+$0xFFFFFFB0];
	v17 =	vadd.f32 v17, v18  }
0x237: {  	s10 =	simm.s32 $0xDB70;
	v18 =	vmul.f32 v21, v3;
	v22 =	vld.idx.msk [tilespmem:v5+s31+$0x0], $0xffff;
	v15 =	vmax.f32 v15, $0.0e+00;
	v23 =	vadd.f32 v31, v23  }
0x238: {  	v19 =	vld.idx.msk [tilespmem:v19+s0+$0x0], $0xffff;
	v12 =	vadd.f32 v12, v16;
	v14 =	vadd.f32 v14, v62;
	[tilespmem:s10+$0xFFFFFFF0] =	vst v15  }
0x239: {  	[tilespmem:v11+s4+$0x0] =	vst.idx.add.f32.msk $0xffff, v15;
	v15 =	vadd.f32 v61, v18;
	v16 =	vadd.f32 v23, v2  }
0x23a: {  	v60 =	vmul.f32 v27, v3;
	v13 =	vld.idx.msk [tilespmem:v24+s0+$0x0], $0xffff;
	v17 =	vadd.f32 v17, v2;
	v14 =	vadd.f32 v20, v14  }
0x23b: {  	[tilespmem:v11+s5+$0x0] =	vst.idx.add.f32.msk $0xffff, v1;
	v11 =	vadd.f32 v12, v2;
	v20 =	vadd.f32 v63, v15;
	v18 =	vmax.f32 v16, $0.0e+00  }
0x23c: {  	v22 =	vadd.f32 v22, v60;
	v14 =	vadd.f32 v14, v2;
	v16 =	vld [tilespmem:s14+$0xFFFFFFB0];
	[tilespmem:s10+$0xFFFFFFD0] =	vst v18  }
0x23d: {  	s11 =	simm.s32 $0xDB70;
	v11 =	vmax.f32 v11, $0.0e+00;
	[tilespmem:v7+s4+$0x0] =	vst.idx.add.f32.msk $0xffff, v18;
	v18 =	vadd.f32 v20, v2  }
0x23e: {  	s12 =	simm.s32 $0x1400;
	s13 =	simm.s32 $0x14F0;
	v12 =	vmax.f32 v17, $0.0e+00;
	v15 =	vadd.f32 v19, v22;
	v17 =	vld.idx.msk [tilespmem:v10+s31+$0x0], $0xffff;
	v14 =	vmax.f32 v14, $0.0e+00;
	[tilespmem:s10+$0xFFFFFF90] =	vst v11;
	s14 =	simm.s32 $0x64F0  }
.LBB2_9:
0x23f: {  	s12 =	sadd.s32 $0x80, s12;
	[tilespmem:v8+s4+$0x0] =	vst.idx.add.f32.msk $0xffff, v11;
	v18 =	vmax.f32 v18, $0.0e+00;
	s9 =	sadd.s32 $0x80, s9;
	s10 =	sadd.s32 $0x80, s10  }
0x240: {  	v19 =	vld [tilespmem:s9+$0xFFFFFFF0];
	p1 =	slt.u32 s12, $0x1D80;
	[tilespmem:s11+$0xFFFFFFE0] =	vst v12  }
0x241: {  	v20 =	vld [tilespmem:s9+$0xFFFFFFD0];
	[tilespmem:s11+$0x0] =	vst v18  }
0x242: {  	v16 =	vmul.f32 v16, v3;
	v11 =	vld [tilespmem:s13+$0xFFFFFFF0];
	[tilespmem:s11+$0xFFFFFFA0] =	vst v14  }
0x243: {  	[tilespmem:v6+s4+$0x0] =	vst.idx.add.f32.msk $0xffff, v18  }
0x244: {  	v16 =	vadd.f32 v17, v16;
	v18 =	vld [tilespmem:s9+$0xFFFFFFE0]  }
0x245: {  	v17 =	vld [tilespmem:s13+$0x0]  }
0x246: {  	v13 =	vadd.f32 v13, v16;
	v21 =	vld [tilespmem:s13+$0xFFFFFF90]  }
0x247: {  	v16 =	vld [tilespmem:s9+$0xFFFFFF90]  }
0x248: {  	v13 =	vadd.f32 v13, v2;
	v22 =	vld [tilespmem:s9+$0x0]  }
0x249: {  	[tilespmem:v8+s5+$0x0] =	vst.idx.add.f32.msk $0xffff, v1  }
0x24a: {  	v23 =	vld.idx.msk [tilespmem:v11+s31+$0x0], $0xffff  }
0x24b: {  	v24 =	vld [tilespmem:s13+$0xFFFFFFE0];
	v8 =	vmov v21  }
0x24c: {  	v19 =	vld.idx.msk [tilespmem:v19+s0+$0x0], $0xffff  }
0x24d: {  	v21 =	vld [tilespmem:s14+$0xFFFFFF90]  }
0x24e: {  	v18 =	vld.idx.msk [tilespmem:v18+s0+$0x0], $0xffff  }
0x24f: {  	v25 =	vld [tilespmem:s13+$0xFFFFFFD0]  }
0x250: {  	v26 =	vld [tilespmem:s13+$0xFFFFFFC0]  }
0x251: {  	v15 =	vadd.f32 v15, v2;
	v27 =	vld [tilespmem:s13+$0xFFFFFFB0]  }
0x252: {  	[tilespmem:v6+s5+$0x0] =	vst.idx.add.f32.msk $0xffff, v1;
	v6 =	vmov v17  }
0x253: {  	v15 =	vmax.f32 v15, $0.0e+00;
	v17 =	vld.idx.msk [tilespmem:v24+s31+$0x0], $0xffff  }
0x254: {  	v28 =	vld [tilespmem:s9+$0xFFFFFFC0];
	[tilespmem:s11+$0xFFFFFFC0] =	vst v15  }
0x255: {  	v29 =	vld [tilespmem:s9+$0xFFFFFFA0]  }
0x256: {  	v13 =	vmax.f32 v13, $0.0e+00;
	[tilespmem:v9+s4+$0x0] =	vst.idx.add.f32.msk $0xffff, v14  }
0x257: {  	v14 =	vld [tilespmem:s14+$0x0];
	[tilespmem:s11+$0xFFFFFFB0] =	vst v13;
	s11 =	smov.u32 s10  }
0x258: {  	v30 =	vld.idx.msk [tilespmem:v26+s31+$0x0], $0xffff  }
0x259: {  	v31 =	vld [tilespmem:s14+$0xFFFFFFF0]  }
0x25a: {  	v32 =	vld [tilespmem:s9+$0xFFFFFFB0]  }
0x25b: {  	v33 =	vld [tilespmem:s14+$0xFFFFFFE0]  }
0x25c: {  	v34 =	vld [tilespmem:s14+$0xFFFFFFD0]  }
0x25d: {  	v35 =	vld [tilespmem:s14+$0xFFFFFFC0]  }
0x25e: {  	v29 =	vld.idx.msk [tilespmem:v29+s0+$0x0], $0xffff  }
0x25f: {  	v36 =	vld [tilespmem:s14+$0xFFFFFFA0]  }
0x260: {  	[tilespmem:v4+s4+$0x0] =	vst.idx.add.f32.msk $0xffff, v12  }
0x261: {  	v12 =	vld [tilespmem:s13+$0xFFFFFFA0]  }
0x262: {  	[tilespmem:v5+s4+$0x0] =	vst.idx.add.f32.msk $0xffff, v15  }
0x263: {  	[tilespmem:v10+s4+$0x0] =	vst.idx.add.f32.msk $0xffff, v13  }
0x264: {  	[tilespmem:v4+s5+$0x0] =	vst.idx.add.f32.msk $0xffff, v1;
	v4 =	vmov v24  }
0x265: {  	[tilespmem:v5+s5+$0x0] =	vst.idx.add.f32.msk $0xffff, v1;
	v5 =	vmov v26  }
0x266: {  	v15 =	vmul.f32 v21, v3;
	v21 =	vld.idx.msk [tilespmem:v25+s31+$0x0], $0xffff  }
0x267: {  	v14 =	vmul.f32 v14, v3;
	[tilespmem:v7+s5+$0x0] =	vst.idx.add.f32.msk $0xffff, v1;
	v7 =	vmov v25  }
0x268: {  	[tilespmem:v9+s5+$0x0] =	vst.idx.add.f32.msk $0xffff, v1;
	v9 =	vmov v12  }
0x269: {  	[tilespmem:v10+s5+$0x0] =	vst.idx.add.f32.msk $0xffff, v1;
	v10 =	vmov v27  }
0x26a: {  	v12 =	vld.idx.msk [tilespmem:v12+s31+$0x0], $0xffff  }
0x26b: {  	v13 =	vmul.f32 v31, v3;
	v16 =	vld.idx.msk [tilespmem:v16+s0+$0x0], $0xffff  }
0x26c: {  	v25 =	vmul.f32 v33, v3;
	v24 =	vld.idx.msk [tilespmem:v8+s31+$0x0], $0xffff  }
0x26d: {  	v26 =	vmul.f32 v34, v3;
	v23 =	vadd.f32 v23, v13;
	v20 =	vld.idx.msk [tilespmem:v20+s0+$0x0], $0xffff  }
0x26e: {  	v27 =	vmul.f32 v35, v3;
	v17 =	vadd.f32 v17, v25;
	v25 =	vld.idx.msk [tilespmem:v6+s31+$0x0], $0xffff  }
0x26f: {  	v31 =	vmul.f32 v36, v3;
	v19 =	vadd.f32 v19, v23;
	v21 =	vadd.f32 v21, v26;
	v13 =	vld.idx.msk [tilespmem:v32+s0+$0x0], $0xffff  }
0x270: {  	v17 =	vadd.f32 v18, v17;
	v23 =	vld.idx.msk [tilespmem:v28+s0+$0x0], $0xffff  }
0x271: {  	v19 =	vadd.f32 v19, v2;
	v18 =	vadd.f32 v30, v27;
	v22 =	vld.idx.msk [tilespmem:v22+s0+$0x0], $0xffff  }
0x272: {  	v12 =	vadd.f32 v12, v31;
	v15 =	vadd.f32 v24, v15  }
0x273: {  	v19 =	vmax.f32 v19, $0.0e+00;
	v17 =	vadd.f32 v17, v2;
	v20 =	vadd.f32 v20, v21  }
0x274: {  	v16 =	vadd.f32 v16, v15;
	v15 =	vadd.f32 v29, v12;
	[tilespmem:s10+$0xFFFFFFF0] =	vst v19  }
0x275: {  	v12 =	vmax.f32 v17, $0.0e+00;
	v14 =	vadd.f32 v25, v14;
	v20 =	vadd.f32 v20, v2;
	[tilespmem:v11+s4+$0x0] =	vst.idx.add.f32.msk $0xffff, v19  }
.Ltmp9:
0x276: {  	v17 =	vadd.f32 v15, v2;
	v15 =	vadd.f32 v23, v18;
	[tilespmem:v11+s5+$0x0] =	vst.idx.add.f32.msk $0xffff, v1;
	(pc) =	sbr.rel @p1 .LBB2_9-.Ltmp9, $4  }
0x277: {  	v11 =	vadd.f32 v16, v2;
	v18 =	vmax.f32 v20, $0.0e+00;
	v19 =	vadd.f32 v22, v14  }
0x278: {  	v14 =	vmax.f32 v17, $0.0e+00;
	v16 =	vld [tilespmem:s14+$0xFFFFFFB0];
	[tilespmem:s10+$0xFFFFFFD0] =	vst v18  }
0x279: {  	v11 =	vmax.f32 v11, $0.0e+00;
	[tilespmem:v7+s4+$0x0] =	vst.idx.add.f32.msk $0xffff, v18;
	v18 =	vadd.f32 v19, v2  }
0x27a: {  	s13 =	sadd.s32 $0x80, s13;
	s14 =	sadd.s32 $0x80, s14;
	[tilespmem:s10+$0xFFFFFF90] =	vst v11;
	v17 =	vld.idx.msk [tilespmem:v10+s31+$0x0], $0xffff  }
0x27b: {  	_ =	sdelay $0x3  }
0x27c: {  	[tilespmem:v8+s4+$0x0] =	vst.idx.add.f32.msk $0xffff, v11  }
0x27d: {  	[tilespmem:s11+$0xFFFFFFE0] =	vst v12  }
0x27e: {  	[tilespmem:s11+$0xFFFFFFA0] =	vst v14  }
0x27f: {  	[tilespmem:v7+s5+$0x0] =	vst.idx.add.f32.msk $0xffff, v1  }
0x280: {  	[tilespmem:v8+s5+$0x0] =	vst.idx.add.f32.msk $0xffff, v1  }
0x281: {  	[tilespmem:v9+s4+$0x0] =	vst.idx.add.f32.msk $0xffff, v14;
	v11 =	vmul.f32 v16, v3  }
0x282: {  	[tilespmem:v4+s4+$0x0] =	vst.idx.add.f32.msk $0xffff, v12  }
0x283: {  	[tilespmem:v4+s5+$0x0] =	vst.idx.add.f32.msk $0xffff, v1;
	v11 =	vadd.f32 v17, v11  }
0x284: {  	v16 =	vmax.f32 v18, $0.0e+00;
	[tilespmem:v9+s5+$0x0] =	vst.idx.add.f32.msk $0xffff, v1  }
0x285: {  	[tilespmem:s11+$0x0] =	vst v16;
	v11 =	vadd.f32 v13, v11;
	v13 =	vadd.f32 v15, v2  }
0x286: {  	[tilespmem:v6+s4+$0x0] =	vst.idx.add.f32.msk $0xffff, v16  }
0x287: {  	[tilespmem:v6+s5+$0x0] =	vst.idx.add.f32.msk $0xffff, v1;
	v8 =	vadd.f32 v11, v2;
	v6 =	vmax.f32 v13, $0.0e+00  }
0x288: {  	[tilespmem:s11+$0xFFFFFFC0] =	vst v6  }
0x289: {  	v8 =	vmax.f32 v8, $0.0e+00;
	[tilespmem:v5+s4+$0x0] =	vst.idx.add.f32.msk $0xffff, v6  }
0x28a: {  	[tilespmem:s11+$0xFFFFFFB0] =	vst v8  }
0x28b: {  	[tilespmem:v5+s5+$0x0] =	vst.idx.add.f32.msk $0xffff, v1  }
0x28c: {  	[tilespmem:v10+s4+$0x0] =	vst.idx.add.f32.msk $0xffff, v8  }
0x28d: {  	[tilespmem:v10+s5+$0x0] =	vst.idx.add.f32.msk $0xffff, v1  }
0x28e: {  	_ =	swait.ge [sflag:s1], $0xA00  }
0x28f: {  	[sflag:s1] =	ssyncset.done $0x0  }
0x290: {  	[sflag:s1] =	ssyncadd.s32 $0xFFFFF600  }
0x291: {  	_ =	swait.ge [sflag:s1], $0xA00  }
0x292: {  	[sflag:s1] =	ssyncset.done $0x0  }
0x293: {  	[sflag:s1] =	ssyncadd.s32 $0xFFFFF600  }
0x294: {  	_ =	swait.ge [sflag:s1], $0xA00  }
0x295: {  	[sflag:s1] =	ssyncset.done $0x0  }
0x296: {  	s9 =	simm.s32 $0x4670;
	[sflag:s1] =	ssyncadd.s32 $0xFFFFF600  }
0x297: {  	s10 =	simm.s32 $0x1E70;
	v5 =	vld [tilespmem:s9+$0xFFFFFFF0]  }
0x298: {  	v11 =	vld [tilespmem:s10+$0xFFFFFFF0]  }
0x299: {  	v10 =	vld [tilespmem:s9+$0xFFFFFFD0]  }
0x29a: {  	v7 =	vld [tilespmem:s9+$0xFFFFFFE0]  }
0x29b: {  	v6 =	vld [tilespmem:s10+$0x0]  }
0x29c: {  	v8 =	vld [tilespmem:s10+$0xFFFFFF90]  }
0x29d: {  	v12 =	vld [tilespmem:s9+$0xFFFFFF90]  }
0x29e: {  	v4 =	vld [tilespmem:s10+$0xFFFFFFE0]  }
0x29f: {  	s14 =	simm.s32 $0x6E70;
	v13 =	vld [tilespmem:s9+$0x0]  }
0x2a0: {  	v16 =	vld [tilespmem:s14+$0xFFFFFF90]  }
0x2a1: {  	v19 =	vld [tilespmem:s9+$0xFFFFFFC0]  }
0x2a2: {  	v20 =	vld [tilespmem:s9+$0xFFFFFFA0]  }
0x2a3: {  	v21 =	vld [tilespmem:s14+$0x0]  }
0x2a4: {  	v23 =	vld [tilespmem:s14+$0xFFFFFFF0]  }
0x2a5: {  	v24 =	vld [tilespmem:s9+$0xFFFFFFB0]  }
0x2a6: {  	v25 =	vld [tilespmem:s14+$0xFFFFFFE0]  }
0x2a7: {  	v9 =	vld [tilespmem:s10+$0xFFFFFFA0]  }
0x2a8: {  	v26 =	vld [tilespmem:s14+$0xFFFFFFD0]  }
0x2a9: {  	v27 =	vld [tilespmem:s14+$0xFFFFFFC0]  }
0x2aa: {  	v17 =	vld.idx.msk [tilespmem:v7+s0+$0x0], $0xffff  }
0x2ab: {  	v7 =	vld [tilespmem:s10+$0xFFFFFFD0]  }
0x2ac: {  	v28 =	vld [tilespmem:s14+$0xFFFFFFA0]  }
0x2ad: {  	v14 =	vld.idx.msk [tilespmem:v11+s31+$0x0], $0xffff  }
0x2ae: {  	v15 =	vld.idx.msk [tilespmem:v5+s0+$0x0], $0xffff  }
0x2af: {  	v5 =	vld [tilespmem:s10+$0xFFFFFFC0]  }
0x2b0: {  	v18 =	vld.idx.msk [tilespmem:v4+s31+$0x0], $0xffff  }
0x2b1: {  	v20 =	vld.idx.msk [tilespmem:v20+s0+$0x0], $0xffff  }
0x2b2: {  	v23 =	vmul.f32 v23, v3;
	v30 =	vld.idx.msk [tilespmem:v8+s31+$0x0], $0xffff  }
0x2b3: {  	v29 =	vld.idx.msk [tilespmem:v7+s31+$0x0], $0xffff  }
0x2b4: {  	v31 =	vld.idx.msk [tilespmem:v10+s0+$0x0], $0xffff;
	v10 =	vadd.f32 v14, v23  }
0x2b5: {  	v25 =	vmul.f32 v25, v3;
	v12 =	vld.idx.msk [tilespmem:v12+s0+$0x0], $0xffff  }
0x2b6: {  	v59 =	vmul.f32 v26, v3;
	v14 =	vld.idx.msk [tilespmem:v9+s31+$0x0], $0xffff;
	v15 =	vadd.f32 v15, v10  }
0x2b7: {  	v16 =	vmul.f32 v16, v3;
	v61 =	vld.idx.msk [tilespmem:v6+s31+$0x0], $0xffff;
	v18 =	vadd.f32 v18, v25  }
0x2b8: {  	v63 =	vld.idx.msk [tilespmem:v13+s0+$0x0], $0xffff;
	v15 =	vadd.f32 v15, v2;
	v23 =	vadd.f32 v29, v59  }
0x2b9: {  	v62 =	vmul.f32 v28, v3;
	v16 =	vadd.f32 v30, v16;
	v10 =	vld [tilespmem:s10+$0xFFFFFFB0];
	v17 =	vadd.f32 v17, v18  }
0x2ba: {  	v18 =	vmul.f32 v21, v3;
	s10 =	simm.s32 $0xE570;
	v22 =	vld.idx.msk [tilespmem:v5+s31+$0x0], $0xffff;
	v15 =	vmax.f32 v15, $0.0e+00;
	v23 =	vadd.f32 v31, v23  }
0x2bb: {  	v19 =	vld.idx.msk [tilespmem:v19+s0+$0x0], $0xffff;
	v12 =	vadd.f32 v12, v16;
	v14 =	vadd.f32 v14, v62;
	[tilespmem:s10+$0xFFFFFFF0] =	vst v15  }
0x2bc: {  	[tilespmem:v11+s4+$0x0] =	vst.idx.add.f32.msk $0xffff, v15;
	v15 =	vadd.f32 v61, v18;
	v16 =	vadd.f32 v23, v2  }
0x2bd: {  	v60 =	vmul.f32 v27, v3;
	v13 =	vld.idx.msk [tilespmem:v24+s0+$0x0], $0xffff;
	v17 =	vadd.f32 v17, v2;
	v14 =	vadd.f32 v20, v14  }
0x2be: {  	[tilespmem:v11+s5+$0x0] =	vst.idx.add.f32.msk $0xffff, v1;
	v11 =	vadd.f32 v12, v2;
	v20 =	vadd.f32 v63, v15;
	v18 =	vmax.f32 v16, $0.0e+00  }
0x2bf: {  	v22 =	vadd.f32 v22, v60;
	v14 =	vadd.f32 v14, v2;
	v16 =	vld [tilespmem:s14+$0xFFFFFFB0];
	[tilespmem:s10+$0xFFFFFFD0] =	vst v18  }
0x2c0: {  	s12 =	simm.s32 $0x1E00;
	v11 =	vmax.f32 v11, $0.0e+00;
	[tilespmem:v7+s4+$0x0] =	vst.idx.add.f32.msk $0xffff, v18;
	v18 =	vadd.f32 v20, v2  }
0x2c1: {  	s13 =	simm.s32 $0x1EF0;
	s11 =	simm.s32 $0xE570;
	v12 =	vmax.f32 v17, $0.0e+00;
	v15 =	vadd.f32 v19, v22;
	v17 =	vld.idx.msk [tilespmem:v10+s31+$0x0], $0xffff;
	v14 =	vmax.f32 v14, $0.0e+00;
	[tilespmem:s10+$0xFFFFFF90] =	vst v11;
	s14 =	simm.s32 $0x6EF0  }
.LBB2_11:
0x2c2: {  	s12 =	sadd.s32 $0x80, s12;
	[tilespmem:v8+s4+$0x0] =	vst.idx.add.f32.msk $0xffff, v11;
	v18 =	vmax.f32 v18, $0.0e+00;
	s9 =	sadd.s32 $0x80, s9;
	s10 =	sadd.s32 $0x80, s10  }
0x2c3: {  	v19 =	vld [tilespmem:s9+$0xFFFFFFF0];
	p1 =	slt.u32 s12, $0x2780;
	[tilespmem:s11+$0xFFFFFFE0] =	vst v12  }
0x2c4: {  	v20 =	vld [tilespmem:s9+$0xFFFFFFD0];
	[tilespmem:s11+$0x0] =	vst v18  }
0x2c5: {  	v16 =	vmul.f32 v16, v3;
	v11 =	vld [tilespmem:s13+$0xFFFFFFF0];
	[tilespmem:s11+$0xFFFFFFA0] =	vst v14  }
0x2c6: {  	[tilespmem:v6+s4+$0x0] =	vst.idx.add.f32.msk $0xffff, v18  }
0x2c7: {  	v16 =	vadd.f32 v17, v16;
	v18 =	vld [tilespmem:s9+$0xFFFFFFE0]  }
0x2c8: {  	v17 =	vld [tilespmem:s13+$0x0]  }
0x2c9: {  	v13 =	vadd.f32 v13, v16;
	v21 =	vld [tilespmem:s13+$0xFFFFFF90]  }
0x2ca: {  	v16 =	vld [tilespmem:s9+$0xFFFFFF90]  }
0x2cb: {  	v13 =	vadd.f32 v13, v2;
	v22 =	vld [tilespmem:s9+$0x0]  }
0x2cc: {  	[tilespmem:v8+s5+$0x0] =	vst.idx.add.f32.msk $0xffff, v1  }
0x2cd: {  	v23 =	vld.idx.msk [tilespmem:v11+s31+$0x0], $0xffff  }
0x2ce: {  	v24 =	vld [tilespmem:s13+$0xFFFFFFE0];
	v8 =	vmov v21  }
0x2cf: {  	v19 =	vld.idx.msk [tilespmem:v19+s0+$0x0], $0xffff  }
0x2d0: {  	v21 =	vld [tilespmem:s14+$0xFFFFFF90]  }
0x2d1: {  	v18 =	vld.idx.msk [tilespmem:v18+s0+$0x0], $0xffff  }
0x2d2: {  	v25 =	vld [tilespmem:s13+$0xFFFFFFD0]  }
0x2d3: {  	v26 =	vld [tilespmem:s13+$0xFFFFFFC0]  }
0x2d4: {  	v15 =	vadd.f32 v15, v2;
	v27 =	vld [tilespmem:s13+$0xFFFFFFB0]  }
0x2d5: {  	[tilespmem:v6+s5+$0x0] =	vst.idx.add.f32.msk $0xffff, v1;
	v6 =	vmov v17  }
0x2d6: {  	v15 =	vmax.f32 v15, $0.0e+00;
	v17 =	vld.idx.msk [tilespmem:v24+s31+$0x0], $0xffff  }
0x2d7: {  	v28 =	vld [tilespmem:s9+$0xFFFFFFC0];
	[tilespmem:s11+$0xFFFFFFC0] =	vst v15  }
0x2d8: {  	v29 =	vld [tilespmem:s9+$0xFFFFFFA0]  }
0x2d9: {  	v13 =	vmax.f32 v13, $0.0e+00;
	[tilespmem:v9+s4+$0x0] =	vst.idx.add.f32.msk $0xffff, v14  }
0x2da: {  	v14 =	vld [tilespmem:s14+$0x0];
	[tilespmem:s11+$0xFFFFFFB0] =	vst v13;
	s11 =	smov.u32 s10  }
0x2db: {  	v30 =	vld.idx.msk [tilespmem:v26+s31+$0x0], $0xffff  }
0x2dc: {  	v31 =	vld [tilespmem:s14+$0xFFFFFFF0]  }
0x2dd: {  	v32 =	vld [tilespmem:s9+$0xFFFFFFB0]  }
0x2de: {  	v33 =	vld [tilespmem:s14+$0xFFFFFFE0]  }
0x2df: {  	v34 =	vld [tilespmem:s14+$0xFFFFFFD0]  }
0x2e0: {  	v35 =	vld [tilespmem:s14+$0xFFFFFFC0]  }
0x2e1: {  	v29 =	vld.idx.msk [tilespmem:v29+s0+$0x0], $0xffff  }
0x2e2: {  	v36 =	vld [tilespmem:s14+$0xFFFFFFA0]  }
0x2e3: {  	[tilespmem:v4+s4+$0x0] =	vst.idx.add.f32.msk $0xffff, v12  }
0x2e4: {  	v12 =	vld [tilespmem:s13+$0xFFFFFFA0]  }
0x2e5: {  	[tilespmem:v5+s4+$0x0] =	vst.idx.add.f32.msk $0xffff, v15  }
0x2e6: {  	[tilespmem:v10+s4+$0x0] =	vst.idx.add.f32.msk $0xffff, v13  }
0x2e7: {  	[tilespmem:v4+s5+$0x0] =	vst.idx.add.f32.msk $0xffff, v1;
	v4 =	vmov v24  }
0x2e8: {  	[tilespmem:v5+s5+$0x0] =	vst.idx.add.f32.msk $0xffff, v1;
	v5 =	vmov v26  }
0x2e9: {  	v15 =	vmul.f32 v21, v3;
	v21 =	vld.idx.msk [tilespmem:v25+s31+$0x0], $0xffff  }
0x2ea: {  	v14 =	vmul.f32 v14, v3;
	[tilespmem:v7+s5+$0x0] =	vst.idx.add.f32.msk $0xffff, v1;
	v7 =	vmov v25  }
0x2eb: {  	[tilespmem:v9+s5+$0x0] =	vst.idx.add.f32.msk $0xffff, v1;
	v9 =	vmov v12  }
0x2ec: {  	[tilespmem:v10+s5+$0x0] =	vst.idx.add.f32.msk $0xffff, v1;
	v10 =	vmov v27  }
0x2ed: {  	v12 =	vld.idx.msk [tilespmem:v12+s31+$0x0], $0xffff  }
0x2ee: {  	v13 =	vmul.f32 v31, v3;
	v16 =	vld.idx.msk [tilespmem:v16+s0+$0x0], $0xffff  }
0x2ef: {  	v25 =	vmul.f32 v33, v3;
	v24 =	vld.idx.msk [tilespmem:v8+s31+$0x0], $0xffff  }
0x2f0: {  	v26 =	vmul.f32 v34, v3;
	v23 =	vadd.f32 v23, v13;
	v20 =	vld.idx.msk [tilespmem:v20+s0+$0x0], $0xffff  }
0x2f1: {  	v27 =	vmul.f32 v35, v3;
	v17 =	vadd.f32 v17, v25;
	v25 =	vld.idx.msk [tilespmem:v6+s31+$0x0], $0xffff  }
0x2f2: {  	v31 =	vmul.f32 v36, v3;
	v19 =	vadd.f32 v19, v23;
	v21 =	vadd.f32 v21, v26;
	v13 =	vld.idx.msk [tilespmem:v32+s0+$0x0], $0xffff  }
0x2f3: {  	v17 =	vadd.f32 v18, v17;
	v23 =	vld.idx.msk [tilespmem:v28+s0+$0x0], $0xffff  }
0x2f4: {  	v19 =	vadd.f32 v19, v2;
	v18 =	vadd.f32 v30, v27;
	v22 =	vld.idx.msk [tilespmem:v22+s0+$0x0], $0xffff  }
0x2f5: {  	v12 =	vadd.f32 v12, v31;
	v15 =	vadd.f32 v24, v15  }
0x2f6: {  	v19 =	vmax.f32 v19, $0.0e+00;
	v17 =	vadd.f32 v17, v2;
	v20 =	vadd.f32 v20, v21  }
0x2f7: {  	v16 =	vadd.f32 v16, v15;
	v15 =	vadd.f32 v29, v12;
	[tilespmem:s10+$0xFFFFFFF0] =	vst v19  }
0x2f8: {  	v12 =	vmax.f32 v17, $0.0e+00;
	v14 =	vadd.f32 v25, v14;
	v20 =	vadd.f32 v20, v2;
	[tilespmem:v11+s4+$0x0] =	vst.idx.add.f32.msk $0xffff, v19  }
.Ltmp10:
0x2f9: {  	v17 =	vadd.f32 v15, v2;
	v15 =	vadd.f32 v23, v18;
	[tilespmem:v11+s5+$0x0] =	vst.idx.add.f32.msk $0xffff, v1;
	(pc) =	sbr.rel @p1 .LBB2_11-.Ltmp10, $4  }
0x2fa: {  	v11 =	vadd.f32 v16, v2;
	v18 =	vmax.f32 v20, $0.0e+00;
	v19 =	vadd.f32 v22, v14  }
0x2fb: {  	v14 =	vmax.f32 v17, $0.0e+00;
	v16 =	vld [tilespmem:s14+$0xFFFFFFB0];
	[tilespmem:s10+$0xFFFFFFD0] =	vst v18  }
0x2fc: {  	v11 =	vmax.f32 v11, $0.0e+00;
	[tilespmem:v7+s4+$0x0] =	vst.idx.add.f32.msk $0xffff, v18;
	v18 =	vadd.f32 v19, v2  }
0x2fd: {  	s13 =	sadd.s32 $0x80, s13;
	s14 =	sadd.s32 $0x80, s14;
	[tilespmem:s10+$0xFFFFFF90] =	vst v11;
	v17 =	vld.idx.msk [tilespmem:v10+s31+$0x0], $0xffff  }
0x2fe: {  	_ =	sdelay $0x3  }
0x2ff: {  	[tilespmem:v8+s4+$0x0] =	vst.idx.add.f32.msk $0xffff, v11  }
0x300: {  	[tilespmem:s11+$0xFFFFFFE0] =	vst v12  }
0x301: {  	[tilespmem:s11+$0xFFFFFFA0] =	vst v14  }
0x302: {  	v62 =	vmax.f32 v18, $0.0e+00;
	[tilespmem:v7+s5+$0x0] =	vst.idx.add.f32.msk $0xffff, v1  }
0x303: {  	[tilespmem:s11+$0x0] =	vst v62  }
0x304: {  	[tilespmem:v8+s5+$0x0] =	vst.idx.add.f32.msk $0xffff, v1;
	v3 =	vmul.f32 v16, v3  }
0x305: {  	[tilespmem:v9+s4+$0x0] =	vst.idx.add.f32.msk $0xffff, v14  }
0x306: {  	[tilespmem:v4+s4+$0x0] =	vst.idx.add.f32.msk $0xffff, v12;
	v3 =	vadd.f32 v17, v3  }
0x307: {  	[tilespmem:v6+s4+$0x0] =	vst.idx.add.f32.msk $0xffff, v62  }
0x308: {  	v63 =	vadd.f32 v15, v2;
	[tilespmem:v4+s5+$0x0] =	vst.idx.add.f32.msk $0xffff, v1;
	v3 =	vadd.f32 v13, v3  }
0x309: {  	[tilespmem:v9+s5+$0x0] =	vst.idx.add.f32.msk $0xffff, v1  }
0x30a: {  	[tilespmem:v6+s5+$0x0] =	vst.idx.add.f32.msk $0xffff, v1;
	v2 =	vadd.f32 v3, v2;
	v3 =	vmax.f32 v63, $0.0e+00  }
0x30b: {  	[tilespmem:s11+$0xFFFFFFC0] =	vst v3  }
0x30c: {  	v2 =	vmax.f32 v2, $0.0e+00;
	[tilespmem:v5+s4+$0x0] =	vst.idx.add.f32.msk $0xffff, v3  }
0x30d: {  	[tilespmem:s11+$0xFFFFFFB0] =	vst v2  }
0x30e: {  	[tilespmem:v5+s5+$0x0] =	vst.idx.add.f32.msk $0xffff, v1  }
0x30f: {  	[tilespmem:v10+s4+$0x0] =	vst.idx.add.f32.msk $0xffff, v2  }
.Ltmp11:
0x310: {  	s9 =	simm.s32 $0xC700;
	[tilespmem:v10+s5+$0x0] =	vst.idx.add.f32.msk $0xffff, v1;
	(pc) =	sbr.rel .LBB2_18-.Ltmp11, $4  }
0x311: {  	[hbm4b:s16+s2] =	stream.linear.scatter [tilespmem:s9], [sflag:$0x2], $0x2800, $0x38;
	[tilespmem:$0x14000] =	vst v63  }
0x312: {  	_ =	swait.ge [sflag:s6], $0x2800  }
0x313: {  	[sflag:s6] =	ssyncset.done $0x0  }
0x314: {  	s10 =	smov.u32 s17;
	s9 =	smov.u32 s18;
	[sflag:s6] =	ssyncadd.s32 $0xFFFFD800  }
.LBB2_19:
0x315: {  	_ =	sfence.sel $0x180000  }
0x316: {  	[bflag:$0x0] =	sbarrier.arrive $0xFFFF  }
0x317: {  	_ =	strace $0x90000047  }
0x318: {  	s0 =	stileid.u32;
	[bflag:$0x2] =	sbarrier.arrive $0xFFFF  }
0x319: {  	p0 =	sne.s32 s0, $0x0;
	s0 =	rddreg [dreg:$0x6]  }
0x31a: {  	s0 =	sadd.s32 @!p0 $0x100000, s0  }
0x31b: {  	[sflag:s0] =	ssyncadd.tile.s32 @!p0 $0x1;
	_ =	shalt  }
.Lfunc_end2:
_tile_overlayer_lowered:
.L_overlay_start_2:
0x31c: {  	(tag) =	ssettag $0x2  }
0x31d: {  	s0 =	rddreg [dreg:$0x0];
	s2 =	stileid.u32  }
0x31e: {  	s1 =	rddreg [dreg:$0x1];
	p0 =	sne.s32 s2, $0x0  }
0x31f: {  	s3 =	rddreg [dreg:$0x2];
	[bflag:$0x3] =	sbarrier.arrive $0xFFFF;
	s2 =	simm.s32 @!p0 $0x1C02  }
0x320: {  	[timem:s3], [sflag:s2] =	dma.local @!p0 [hbm:s0], s1  }
0x321: {  	s0 =	simm.s32 @!p0 $0x2  }
0x322: {  	_ =	swait.ge @!p0 [sflag:s0], s1  }
0x323: {  	s1 =	ssub.s32 @!p0 $0x0, s1;
	[sflag:s0] =	ssyncset.done @!p0 $0x0  }
0x324: {  	[sflag:s0] =	ssyncadd.s32 @!p0 s1  }
0x325: {  	[bflag:$0x3] =	sbarrier.arrive $0xFFFF  }
0x326: {  	_ =	shalt  }

</sc_bundles>
